<compile_context>
chip_gen: v7x
topology: tpu7x:2x2x1
jax: 0.10.2.dev20260603
libtpu: 0.0.44.dev20260713+nightly
codegen_flags: <defaults>
</compile_context>

<pallas_src>
import jax
import jax.numpy as jnp
from jax.experimental import pallas as pl
from jax.experimental.pallas import tpu as pltpu

NELE = 90
NAZI = 90
G = NELE * NAZI
K = 256 * 6
R = 100
SCALE = 768.0
GB = 512
NBLK = (G + GB - 1) // GB
LASTB = G - (NBLK - 1) * GB


def _doa_from_idx(ridx, doaT_ref):
    ele = ridx // NAZI
    azi = ridx % NAZI
    kk = jax.lax.broadcasted_iota(jnp.int32, (NAZI, 1), 0)
    elev = jnp.sum((kk == ele).astype(jnp.float32) * doaT_ref[:, 0:1],
                   axis=0, keepdims=True)
    aziv = jnp.sum((kk == azi).astype(jnp.float32) * doaT_ref[:, 1:2],
                   axis=0, keepdims=True)
    return jnp.concatenate([elev, aziv], axis=0)


def _argmax_update(jb, first, m, nrows, runmax_s, runidx_s):
    gidx = jb * GB + jax.lax.broadcasted_iota(jnp.int32, (nrows, 1), 0)
    bmax = jnp.max(m, axis=0, keepdims=True)
    bidx = jnp.min(jnp.where(m == bmax, gidx, jnp.int32(2**31 - 1)),
                   axis=0, keepdims=True)

    @pl.when(first)
    def _():
        runmax_s[...] = jnp.full((1, R), -jnp.inf, jnp.float32)
        runidx_s[...] = jnp.zeros((1, R), jnp.int32)

    better = bmax > runmax_s[...]
    runmax_s[...] = jnp.where(better, bmax, runmax_s[...])
    runidx_s[...] = jnp.where(better, bidx, runidx_s[...])


def _gather_ratio(runidx_s, idx_smem, tm_s, sel_s, x2, sem):
    pltpu.make_async_copy(runidx_s, idx_smem, sem).start()
    pltpu.make_async_copy(runidx_s, idx_smem, sem).wait()

    def body(i, _):
        g = idx_smem[0, i]
        sel_s[pl.ds(i, 1), :] = tm_s[pl.ds(g, 1), :]
        return 0

    jax.lax.fori_loop(0, R, body, 0)
    sel = sel_s[...]
    num = jnp.sum(x2 * sel, axis=1, keepdims=True)
    den = jnp.sum(sel * sel, axis=1, keepdims=True)
    return num / den, sel


def _mega_kernel(x2_ref, doaT_ref, tm_hbm,
                 ss_ref, vad_ref, doa1_ref, doa2_ref,
                 tm_s, xT_s, x2T_s, sel_s, runmax_s, runidx_s,
                 idx_smem, dma_sem, cp_sem):
    j = pl.program_id(0)

    @pl.when(j == 0)
    def _():
        for b in range(NBLK - 1):
            pltpu.make_async_copy(tm_hbm.at[pl.ds(b * GB, GB), :],
                                  tm_s.at[pl.ds(b * GB, GB), :],
                                  dma_sem).start()
        pltpu.make_async_copy(tm_hbm.at[pl.ds((NBLK - 1) * GB, LASTB), :],
                              tm_s.at[pl.ds((NBLK - 1) * GB, LASTB), :],
                              dma_sem).start()
        xT_s[...] = x2_ref[...].T

    @pl.when(j < NBLK - 1)
    def _():
        pltpu.make_async_copy(tm_hbm.at[pl.ds(j * GB, GB), :],
                              tm_s.at[pl.ds(j * GB, GB), :], dma_sem).wait()
        tb = tm_s[pl.ds(j * GB, GB), :]
        m = jax.lax.dot_general(tb, xT_s[...], (((1,), (0,)), ((), ())),
                                preferred_element_type=jnp.float32) / SCALE
        ss_ref[...] = m.T
        _argmax_update(j, j == 0, m, GB, runmax_s, runidx_s)

    @pl.when(j == NBLK - 1)
    def _():
        pltpu.make_async_copy(tm_hbm.at[pl.ds((NBLK - 1) * GB, LASTB), :],
                              tm_s.at[pl.ds((NBLK - 1) * GB, LASTB), :],
                              dma_sem).wait()
        tb = tm_s[pl.ds((NBLK - 1) * GB, LASTB), :]
        m = jax.lax.dot_general(tb, xT_s[...], (((1,), (0,)), ((), ())),
                                preferred_element_type=jnp.float32) / SCALE
        ss_ref[:, 0:LASTB] = m.T
        _argmax_update(j, False, m, LASTB, runmax_s, runidx_s)

    @pl.when(j == NBLK)
    def _():
        x2 = x2_ref[...]
        ratio, sel = _gather_ratio(runidx_s, idx_smem, tm_s, sel_s, x2,
                                   cp_sem)
        vad_ref[:, 0:1] = ratio
        doa1_ref[...] = _doa_from_idx(runidx_s[...], doaT_ref)
        ipd2 = x2 - ratio * sel
        x2T_s[...] = ipd2
        xT_s[...] = ipd2.T

    @pl.when(j >= NBLK)
    def _():
        jb = j - NBLK

        @pl.when(jb < NBLK - 1)
        def _():
            tb = tm_s[pl.ds(jb * GB, GB), :]
            m = jax.lax.dot_general(tb, xT_s[...], (((1,), (0,)), ((), ())),
                                    preferred_element_type=jnp.float32) / SCALE
            _argmax_update(jb, jb == 0, m, GB, runmax_s, runidx_s)

        @pl.when(jb == NBLK - 1)
        def _():
            tb = tm_s[pl.ds((NBLK - 1) * GB, LASTB), :]
            m = jax.lax.dot_general(tb, xT_s[...], (((1,), (0,)), ((), ())),
                                    preferred_element_type=jnp.float32) / SCALE
            _argmax_update(jb, False, m, LASTB, runmax_s, runidx_s)
            ratio2, _ = _gather_ratio(runidx_s, idx_smem, tm_s, sel_s,
                                      x2T_s[...], cp_sem)
            vad_ref[:, 1:2] = ratio2
            doa2_ref[...] = _doa_from_idx(runidx_s[...], doaT_ref)


def kernel(pred_ipd, dpipd_template, doa_candidate):
    nb, nt, nf, nmic = pred_ipd.shape
    x2 = pred_ipd.transpose(0, 1, 3, 2).reshape(R, K)
    tm = dpipd_template.transpose(0, 1, 3, 2).reshape(G, K)
    doaT = doa_candidate.T

    ss, vad, doa1, doa2 = pl.pallas_call(
        _mega_kernel,
        grid=(2 * NBLK,),
        in_specs=[
            pl.BlockSpec((R, K), lambda j: (0, 0)),
            pl.BlockSpec((NAZI, 2), lambda j: (0, 0)),
            pl.BlockSpec(memory_space=pltpu.MemorySpace.HBM),
        ],
        out_specs=[
            pl.BlockSpec((R, GB), lambda j: (0, jnp.minimum(j, NBLK - 1))),
            pl.BlockSpec((R, 2), lambda j: (0, 0)),
            pl.BlockSpec((2, R), lambda j: (0, 0)),
            pl.BlockSpec((2, R), lambda j: (0, 0)),
        ],
        out_shape=[
            jax.ShapeDtypeStruct((R, G), jnp.float32),
            jax.ShapeDtypeStruct((R, 2), jnp.float32),
            jax.ShapeDtypeStruct((2, R), jnp.float32),
            jax.ShapeDtypeStruct((2, R), jnp.float32),
        ],
        scratch_shapes=[
            pltpu.VMEM((G, K), jnp.float32),
            pltpu.VMEM((K, R), jnp.float32),
            pltpu.VMEM((R, K), jnp.float32),
            pltpu.VMEM((R, K), jnp.float32),
            pltpu.VMEM((1, R), jnp.float32),
            pltpu.VMEM((1, R), jnp.int32),
            pltpu.SMEM((1, R), jnp.int32),
            pltpu.SemaphoreType.DMA,
            pltpu.SemaphoreType.DMA,
        ],
        compiler_params=pltpu.CompilerParams(vmem_limit_bytes=61_000_000),
    )(x2, doaT, tm)

    pred_ss = ss.reshape(nb, nt, NELE, NAZI)
    pred_DOAs = jnp.stack([doa1.T, doa2.T], axis=-1).reshape(nb, nt, 2, 2)
    pred_VADs = vad.reshape(nb, nt, 2)
    return (pred_DOAs, pred_VADs, pred_ss)

# --- scband reference (transcript-rebuilt; emitter-appended) ---
"""Pipeline reference for scband-source-detect-localize-39032662786502 (READ-ONLY COPY).

The authoritative reference and input builder live on the scoring server;
editing this copy changes nothing except your own understanding.
"""

import jax, jax.numpy as jnp
import numpy as np

MAX_NUM_SOURCES = 2


def setup_inputs(seed: int = 0) -> dict:
    key = jax.random.key(seed)
    k1, k2, k3 = jax.random.split(key, 3)
    pred_ipd = jax.random.normal(k1, (4, 25, 256, 6), dtype=jnp.float32)
    dpipd_template = jax.random.normal(k2, (90, 90, 256, 6), dtype=jnp.float32)
    doa_candidate = jax.random.uniform(k3, (2, 90), dtype=jnp.float32)
    return {"pred_ipd": pred_ipd, "dpipd_template": dpipd_template, "doa_candidate": doa_candidate}


def reference(pred_ipd, dpipd_template, doa_candidate):
    # pred_ipd: (nb, nt, nf, nmic) with nf = 2*n_freq (cos/sin stacked)
    # dpipd_template: (nele, nazi, nf, nmic)
    # doa_candidate: (2, N) -> row 0 = ele_candidate, row 1 = azi_candidate (nele == nazi == N)
    pred_ipd = jax.lax.stop_gradient(pred_ipd)  # matches .detach() in torch
    nb, nt, nf, nmic = pred_ipd.shape
    nele, nazi = dpipd_template.shape[0], dpipd_template.shape[1]
    scale = nmic * nf / 2.0
    # (nele*nazi, nf*nmic): matches view(nele,nazi,-1).permute->view(nmic*nf, nele*nazi) transposed
    tmpl2d = dpipd_template.reshape(nele * nazi, nf * nmic)

    def ss_of(ipd):
        return jnp.einsum('btf,gf->btg', ipd.reshape(nb, nt, nf * nmic), tmpl2d) / scale

    pred_ss = ss_of(pred_ipd).reshape(nb, nt, nele, nazi)

    ele_c = doa_candidate[0]
    azi_c = doa_candidate[1]

    ipd = pred_ipd
    doa_list = []
    vad_list = []
    for _ in range(MAX_NUM_SOURCES):
        m = ss_of(ipd)  # (nb, nt, nele*nazi)
        flat_idx = jnp.argmax(m, axis=2)  # (nb, nt)
        ele_idx = flat_idx // nazi
        azi_idx = flat_idx % nazi
        # torch version round-trips through numpy -> no gradient to candidates
        pred_DOA = jnp.stack(
            [jax.lax.stop_gradient(ele_c[ele_idx]), jax.lax.stop_gradient(azi_c[azi_idx])], axis=-1
        )  # (nb, nt, 2)
        doa_list.append(pred_DOA)
        # gather best-matching template per (b, t)
        tmpl_sel = dpipd_template[ele_idx, azi_idx]  # (nb, nt, nf, nmic)
        num = jnp.sum(tmpl_sel * ipd, axis=(2, 3))
        den = jnp.sum(tmpl_sel * tmpl_sel, axis=(2, 3))
        ratio = num / den  # (nb, nt)
        max_tmpl = ratio[:, :, None, None] * tmpl_sel
        vad_list.append(ratio)  # source_num_mode == 'unkNum'
        ipd = ipd - max_tmpl

    pred_DOAs = jnp.stack(doa_list, axis=-1)  # (nb, nt, 2, max_num_sources)
    pred_VADs = jnp.stack(vad_list, axis=-1)  # (nb, nt, max_num_sources)
    return (pred_DOAs, pred_VADs, pred_ss)

if __name__ == "__main__":
    import jax
    _d = setup_inputs()
    print(jax.jit(kernel)(*tuple(_d.values())))

</pallas_src>

<mosaic_0001>
module attributes {stable_mosaic.version = 14 : i64} {
  func.func @_mega_kernel(%arg0: i32, %arg1: memref<100x1536xf32, #tpu.memory_space<vmem>>, %arg2: memref<90x2xf32, #tpu.memory_space<vmem>>, %arg3: memref<8100x1536xf32, #tpu.memory_space<hbm>>, %arg4: memref<100x512xf32, #tpu.memory_space<vmem>>, %arg5: memref<100x2xf32, #tpu.memory_space<vmem>>, %arg6: memref<2x100xf32, #tpu.memory_space<vmem>>, %arg7: memref<2x100xf32, #tpu.memory_space<vmem>>, %arg8: memref<8100x1536xf32, #tpu.memory_space<vmem>>, %arg9: memref<1536x100xf32, #tpu.memory_space<vmem>>, %arg10: memref<100x1536xf32, #tpu.memory_space<vmem>>, %arg11: memref<100x1536xf32, #tpu.memory_space<vmem>>, %arg12: memref<1x100xf32, #tpu.memory_space<vmem>>, %arg13: memref<1x100xi32, #tpu.memory_space<vmem>>, %arg14: memref<1x100xi32, #tpu.memory_space<smem>>, %arg15: memref<!tpu.dma_semaphore, #tpu.memory_space<semaphore_mem>>, %arg16: memref<!tpu.dma_semaphore, #tpu.memory_space<semaphore_mem>>) attributes {dimension_semantics = [#tpu.dimension_semantics<arbitrary>], iteration_bounds = array<i64: 32>, scalar_prefetch = 0 : i64, scratch_operands = 9 : i64, tpu.core_type = #tpu.core_type<tc>, window_params = [{pipeline_mode = #tpu.pipeline_mode<synchronous>, transform_indices = @transform_0, window_bounds = array<i64: 100, 1536>}, {pipeline_mode = #tpu.pipeline_mode<synchronous>, transform_indices = @transform_1, window_bounds = array<i64: 90, 2>}, {}, {transform_indices = @transform_3, window_bounds = array<i64: 100, 512>}, {pipeline_mode = #tpu.pipeline_mode<synchronous>, transform_indices = @transform_4, window_bounds = array<i64: 100, 2>}, {pipeline_mode = #tpu.pipeline_mode<synchronous>, transform_indices = @transform_5, window_bounds = array<i64: 2, 100>}, {pipeline_mode = #tpu.pipeline_mode<synchronous>, transform_indices = @transform_6, window_bounds = array<i64: 2, 100>}]} {
    %eq3A = arith.constant 0 : i32
    %eq3A_0 = arith.cmpi eq, %arg0, %eq3A : i32
    %convert_element_type3A = arith.extui %eq3A_0 : i1 to i32
    %cond3A = arith.constant 0 : i32
    %cond3A_1 = arith.cmpi ne, %convert_element_type3A, %cond3A : i32
    scf.if %cond3A_1 {
      %dma_start3A = arith.constant 0 : i32
      %dma_start3A_20 = arith.constant 0 : i32
      %dma_start3A_21 = tpu.memref_slice %arg8[%dma_start3A, %dma_start3A_20] : memref<8100x1536xf32, #tpu.memory_space<vmem>> -> memref<512x1536xf32, #tpu.memory_space<vmem>>
      %dma_start3A_22 = arith.constant 0 : i32
      %dma_start3A_23 = arith.constant 0 : i32
      %dma_start3A_24 = tpu.memref_slice %arg3[%dma_start3A_22, %dma_start3A_23] : memref<8100x1536xf32, #tpu.memory_space<hbm>> -> memref<512x1536xf32, #tpu.memory_space<hbm>>
      tpu.enqueue_dma source(%dma_start3A_24 : memref<512x1536xf32, #tpu.memory_space<hbm>>) target(%dma_start3A_21 : memref<512x1536xf32, #tpu.memory_space<vmem>>) target_semaphore(%arg15 : memref<!tpu.dma_semaphore, #tpu.memory_space<semaphore_mem>>)
      %dma_start3A_25 = arith.constant 512 : i32
      %dma_start3A_26 = arith.constant 0 : i32
      %dma_start3A_27 = tpu.memref_slice %arg8[%dma_start3A_25, %dma_start3A_26] : memref<8100x1536xf32, #tpu.memory_space<vmem>> -> memref<512x1536xf32, #tpu.memory_space<vmem>>
      %dma_start3A_28 = arith.constant 512 : i32
      %dma_start3A_29 = arith.constant 0 : i32
      %dma_start3A_30 = tpu.memref_slice %arg3[%dma_start3A_28, %dma_start3A_29] : memref<8100x1536xf32, #tpu.memory_space<hbm>> -> memref<512x1536xf32, #tpu.memory_space<hbm>>
      tpu.enqueue_dma source(%dma_start3A_30 : memref<512x1536xf32, #tpu.memory_space<hbm>>) target(%dma_start3A_27 : memref<512x1536xf32, #tpu.memory_space<vmem>>) target_semaphore(%arg15 : memref<!tpu.dma_semaphore, #tpu.memory_space<semaphore_mem>>)
      %dma_start3A_31 = arith.constant 1024 : i32
      %dma_start3A_32 = arith.constant 0 : i32
      %dma_start3A_33 = tpu.memref_slice %arg8[%dma_start3A_31, %dma_start3A_32] : memref<8100x1536xf32, #tpu.memory_space<vmem>> -> memref<512x1536xf32, #tpu.memory_space<vmem>>
      %dma_start3A_34 = arith.constant 1024 : i32
      %dma_start3A_35 = arith.constant 0 : i32
      %dma_start3A_36 = tpu.memref_slice %arg3[%dma_start3A_34, %dma_start3A_35] : memref<8100x1536xf32, #tpu.memory_space<hbm>> -> memref<512x1536xf32, #tpu.memory_space<hbm>>
      tpu.enqueue_dma source(%dma_start3A_36 : memref<512x1536xf32, #tpu.memory_space<hbm>>) target(%dma_start3A_33 : memref<512x1536xf32, #tpu.memory_space<vmem>>) target_semaphore(%arg15 : memref<!tpu.dma_semaphore, #tpu.memory_space<semaphore_mem>>)
      %dma_start3A_37 = arith.constant 1536 : i32
      %dma_start3A_38 = arith.constant 0 : i32
      %dma_start3A_39 = tpu.memref_slice %arg8[%dma_start3A_37, %dma_start3A_38] : memref<8100x1536xf32, #tpu.memory_space<vmem>> -> memref<512x1536xf32, #tpu.memory_space<vmem>>
      %dma_start3A_40 = arith.constant 1536 : i32
      %dma_start3A_41 = arith.constant 0 : i32
      %dma_start3A_42 = tpu.memref_slice %arg3[%dma_start3A_40, %dma_start3A_41] : memref<8100x1536xf32, #tpu.memory_space<hbm>> -> memref<512x1536xf32, #tpu.memory_space<hbm>>
      tpu.enqueue_dma source(%dma_start3A_42 : memref<512x1536xf32, #tpu.memory_space<hbm>>) target(%dma_start3A_39 : memref<512x1536xf32, #tpu.memory_space<vmem>>) target_semaphore(%arg15 : memref<!tpu.dma_semaphore, #tpu.memory_space<semaphore_mem>>)
      %dma_start3A_43 = arith.constant 2048 : i32
      %dma_start3A_44 = arith.constant 0 : i32
      %dma_start3A_45 = tpu.memref_slice %arg8[%dma_start3A_43, %dma_start3A_44] : memref<8100x1536xf32, #tpu.memory_space<vmem>> -> memref<512x1536xf32, #tpu.memory_space<vmem>>
      %dma_start3A_46 = arith.constant 2048 : i32
      %dma_start3A_47 = arith.constant 0 : i32
      %dma_start3A_48 = tpu.memref_slice %arg3[%dma_start3A_46, %dma_start3A_47] : memref<8100x1536xf32, #tpu.memory_space<hbm>> -> memref<512x1536xf32, #tpu.memory_space<hbm>>
      tpu.enqueue_dma source(%dma_start3A_48 : memref<512x1536xf32, #tpu.memory_space<hbm>>) target(%dma_start3A_45 : memref<512x1536xf32, #tpu.memory_space<vmem>>) target_semaphore(%arg15 : memref<!tpu.dma_semaphore, #tpu.memory_space<semaphore_mem>>)
      %dma_start3A_49 = arith.constant 2560 : i32
      %dma_start3A_50 = arith.constant 0 : i32
      %dma_start3A_51 = tpu.memref_slice %arg8[%dma_start3A_49, %dma_start3A_50] : memref<8100x1536xf32, #tpu.memory_space<vmem>> -> memref<512x1536xf32, #tpu.memory_space<vmem>>
      %dma_start3A_52 = arith.constant 2560 : i32
      %dma_start3A_53 = arith.constant 0 : i32
      %dma_start3A_54 = tpu.memref_slice %arg3[%dma_start3A_52, %dma_start3A_53] : memref<8100x1536xf32, #tpu.memory_space<hbm>> -> memref<512x1536xf32, #tpu.memory_space<hbm>>
      tpu.enqueue_dma source(%dma_start3A_54 : memref<512x1536xf32, #tpu.memory_space<hbm>>) target(%dma_start3A_51 : memref<512x1536xf32, #tpu.memory_space<vmem>>) target_semaphore(%arg15 : memref<!tpu.dma_semaphore, #tpu.memory_space<semaphore_mem>>)
      %dma_start3A_55 = arith.constant 3072 : i32
      %dma_start3A_56 = arith.constant 0 : i32
      %dma_start3A_57 = tpu.memref_slice %arg8[%dma_start3A_55, %dma_start3A_56] : memref<8100x1536xf32, #tpu.memory_space<vmem>> -> memref<512x1536xf32, #tpu.memory_space<vmem>>
      %dma_start3A_58 = arith.constant 3072 : i32
      %dma_start3A_59 = arith.constant 0 : i32
      %dma_start3A_60 = tpu.memref_slice %arg3[%dma_start3A_58, %dma_start3A_59] : memref<8100x1536xf32, #tpu.memory_space<hbm>> -> memref<512x1536xf32, #tpu.memory_space<hbm>>
      tpu.enqueue_dma source(%dma_start3A_60 : memref<512x1536xf32, #tpu.memory_space<hbm>>) target(%dma_start3A_57 : memref<512x1536xf32, #tpu.memory_space<vmem>>) target_semaphore(%arg15 : memref<!tpu.dma_semaphore, #tpu.memory_space<semaphore_mem>>)
      %dma_start3A_61 = arith.constant 3584 : i32
      %dma_start3A_62 = arith.constant 0 : i32
      %dma_start3A_63 = tpu.memref_slice %arg8[%dma_start3A_61, %dma_start3A_62] : memref<8100x1536xf32, #tpu.memory_space<vmem>> -> memref<512x1536xf32, #tpu.memory_space<vmem>>
      %dma_start3A_64 = arith.constant 3584 : i32
      %dma_start3A_65 = arith.constant 0 : i32
      %dma_start3A_66 = tpu.memref_slice %arg3[%dma_start3A_64, %dma_start3A_65] : memref<8100x1536xf32, #tpu.memory_space<hbm>> -> memref<512x1536xf32, #tpu.memory_space<hbm>>
      tpu.enqueue_dma source(%dma_start3A_66 : memref<512x1536xf32, #tpu.memory_space<hbm>>) target(%dma_start3A_63 : memref<512x1536xf32, #tpu.memory_space<vmem>>) target_semaphore(%arg15 : memref<!tpu.dma_semaphore, #tpu.memory_space<semaphore_mem>>)
      %dma_start3A_67 = arith.constant 4096 : i32
      %dma_start3A_68 = arith.constant 0 : i32
      %dma_start3A_69 = tpu.memref_slice %arg8[%dma_start3A_67, %dma_start3A_68] : memref<8100x1536xf32, #tpu.memory_space<vmem>> -> memref<512x1536xf32, #tpu.memory_space<vmem>>
      %dma_start3A_70 = arith.constant 4096 : i32
      %dma_start3A_71 = arith.constant 0 : i32
      %dma_start3A_72 = tpu.memref_slice %arg3[%dma_start3A_70, %dma_start3A_71] : memref<8100x1536xf32, #tpu.memory_space<hbm>> -> memref<512x1536xf32, #tpu.memory_space<hbm>>
      tpu.enqueue_dma source(%dma_start3A_72 : memref<512x1536xf32, #tpu.memory_space<hbm>>) target(%dma_start3A_69 : memref<512x1536xf32, #tpu.memory_space<vmem>>) target_semaphore(%arg15 : memref<!tpu.dma_semaphore, #tpu.memory_space<semaphore_mem>>)
      %dma_start3A_73 = arith.constant 4608 : i32
      %dma_start3A_74 = arith.constant 0 : i32
      %dma_start3A_75 = tpu.memref_slice %arg8[%dma_start3A_73, %dma_start3A_74] : memref<8100x1536xf32, #tpu.memory_space<vmem>> -> memref<512x1536xf32, #tpu.memory_space<vmem>>
      %dma_start3A_76 = arith.constant 4608 : i32
      %dma_start3A_77 = arith.constant 0 : i32
      %dma_start3A_78 = tpu.memref_slice %arg3[%dma_start3A_76, %dma_start3A_77] : memref<8100x1536xf32, #tpu.memory_space<hbm>> -> memref<512x1536xf32, #tpu.memory_space<hbm>>
      tpu.enqueue_dma source(%dma_start3A_78 : memref<512x1536xf32, #tpu.memory_space<hbm>>) target(%dma_start3A_75 : memref<512x1536xf32, #tpu.memory_space<vmem>>) target_semaphore(%arg15 : memref<!tpu.dma_semaphore, #tpu.memory_space<semaphore_mem>>)
      %dma_start3A_79 = arith.constant 5120 : i32
      %dma_start3A_80 = arith.constant 0 : i32
      %dma_start3A_81 = tpu.memref_slice %arg8[%dma_start3A_79, %dma_start3A_80] : memref<8100x1536xf32, #tpu.memory_space<vmem>> -> memref<512x1536xf32, #tpu.memory_space<vmem>>
      %dma_start3A_82 = arith.constant 5120 : i32
      %dma_start3A_83 = arith.constant 0 : i32
      %dma_start3A_84 = tpu.memref_slice %arg3[%dma_start3A_82, %dma_start3A_83] : memref<8100x1536xf32, #tpu.memory_space<hbm>> -> memref<512x1536xf32, #tpu.memory_space<hbm>>
      tpu.enqueue_dma source(%dma_start3A_84 : memref<512x1536xf32, #tpu.memory_space<hbm>>) target(%dma_start3A_81 : memref<512x1536xf32, #tpu.memory_space<vmem>>) target_semaphore(%arg15 : memref<!tpu.dma_semaphore, #tpu.memory_space<semaphore_mem>>)
      %dma_start3A_85 = arith.constant 5632 : i32
      %dma_start3A_86 = arith.constant 0 : i32
      %dma_start3A_87 = tpu.memref_slice %arg8[%dma_start3A_85, %dma_start3A_86] : memref<8100x1536xf32, #tpu.memory_space<vmem>> -> memref<512x1536xf32, #tpu.memory_space<vmem>>
      %dma_start3A_88 = arith.constant 5632 : i32
      %dma_start3A_89 = arith.constant 0 : i32
      %dma_start3A_90 = tpu.memref_slice %arg3[%dma_start3A_88, %dma_start3A_89] : memref<8100x1536xf32, #tpu.memory_space<hbm>> -> memref<512x1536xf32, #tpu.memory_space<hbm>>
      tpu.enqueue_dma source(%dma_start3A_90 : memref<512x1536xf32, #tpu.memory_space<hbm>>) target(%dma_start3A_87 : memref<512x1536xf32, #tpu.memory_space<vmem>>) target_semaphore(%arg15 : memref<!tpu.dma_semaphore, #tpu.memory_space<semaphore_mem>>)
      %dma_start3A_91 = arith.constant 6144 : i32
      %dma_start3A_92 = arith.constant 0 : i32
      %dma_start3A_93 = tpu.memref_slice %arg8[%dma_start3A_91, %dma_start3A_92] : memref<8100x1536xf32, #tpu.memory_space<vmem>> -> memref<512x1536xf32, #tpu.memory_space<vmem>>
      %dma_start3A_94 = arith.constant 6144 : i32
      %dma_start3A_95 = arith.constant 0 : i32
      %dma_start3A_96 = tpu.memref_slice %arg3[%dma_start3A_94, %dma_start3A_95] : memref<8100x1536xf32, #tpu.memory_space<hbm>> -> memref<512x1536xf32, #tpu.memory_space<hbm>>
      tpu.enqueue_dma source(%dma_start3A_96 : memref<512x1536xf32, #tpu.memory_space<hbm>>) target(%dma_start3A_93 : memref<512x1536xf32, #tpu.memory_space<vmem>>) target_semaphore(%arg15 : memref<!tpu.dma_semaphore, #tpu.memory_space<semaphore_mem>>)
      %dma_start3A_97 = arith.constant 6656 : i32
      %dma_start3A_98 = arith.constant 0 : i32
      %dma_start3A_99 = tpu.memref_slice %arg8[%dma_start3A_97, %dma_start3A_98] : memref<8100x1536xf32, #tpu.memory_space<vmem>> -> memref<512x1536xf32, #tpu.memory_space<vmem>>
      %dma_start3A_100 = arith.constant 6656 : i32
      %dma_start3A_101 = arith.constant 0 : i32
      %dma_start3A_102 = tpu.memref_slice %arg3[%dma_start3A_100, %dma_start3A_101] : memref<8100x1536xf32, #tpu.memory_space<hbm>> -> memref<512x1536xf32, #tpu.memory_space<hbm>>
      tpu.enqueue_dma source(%dma_start3A_102 : memref<512x1536xf32, #tpu.memory_space<hbm>>) target(%dma_start3A_99 : memref<512x1536xf32, #tpu.memory_space<vmem>>) target_semaphore(%arg15 : memref<!tpu.dma_semaphore, #tpu.memory_space<semaphore_mem>>)
      %dma_start3A_103 = arith.constant 7168 : i32
      %dma_start3A_104 = arith.constant 0 : i32
      %dma_start3A_105 = tpu.memref_slice %arg8[%dma_start3A_103, %dma_start3A_104] : memref<8100x1536xf32, #tpu.memory_space<vmem>> -> memref<512x1536xf32, #tpu.memory_space<vmem>>
      %dma_start3A_106 = arith.constant 7168 : i32
      %dma_start3A_107 = arith.constant 0 : i32
      %dma_start3A_108 = tpu.memref_slice %arg3[%dma_start3A_106, %dma_start3A_107] : memref<8100x1536xf32, #tpu.memory_space<hbm>> -> memref<512x1536xf32, #tpu.memory_space<hbm>>
      tpu.enqueue_dma source(%dma_start3A_108 : memref<512x1536xf32, #tpu.memory_space<hbm>>) target(%dma_start3A_105 : memref<512x1536xf32, #tpu.memory_space<vmem>>) target_semaphore(%arg15 : memref<!tpu.dma_semaphore, #tpu.memory_space<semaphore_mem>>)
      %dma_start3A_109 = arith.constant 7680 : i32
      %dma_start3A_110 = arith.constant 0 : i32
      %dma_start3A_111 = tpu.memref_slice %arg8[%dma_start3A_109, %dma_start3A_110] : memref<8100x1536xf32, #tpu.memory_space<vmem>> -> memref<420x1536xf32, #tpu.memory_space<vmem>>
      %dma_start3A_112 = arith.constant 7680 : i32
      %dma_start3A_113 = arith.constant 0 : i32
      %dma_start3A_114 = tpu.memref_slice %arg3[%dma_start3A_112, %dma_start3A_113] : memref<8100x1536xf32, #tpu.memory_space<hbm>> -> memref<420x1536xf32, #tpu.memory_space<hbm>>
      tpu.enqueue_dma source(%dma_start3A_114 : memref<420x1536xf32, #tpu.memory_space<hbm>>) target(%dma_start3A_111 : memref<420x1536xf32, #tpu.memory_space<vmem>>) target_semaphore(%arg15 : memref<!tpu.dma_semaphore, #tpu.memory_space<semaphore_mem>>)
      %get3A = arith.constant 0 : index
      %get3A_115 = arith.constant 0 : index
      %get3A_116 = vector.load %arg1[%get3A, %get3A_115] : memref<100x1536xf32, #tpu.memory_space<vmem>>, vector<100x1536xf32>
      %transpose3A = tpu.transpose %get3A_116, [1, 0] : vector<100x1536xf32> -> vector<1536x100xf32>
      %swap3A = arith.constant 0 : index
      %swap3A_117 = arith.constant 0 : index
      %swap3A_118 = vector.load %arg9[%swap3A, %swap3A_117] : memref<1536x100xf32, #tpu.memory_space<vmem>>, vector<1536x100xf32>
      tpu.vector_store %arg9[%swap3A, %swap3A_117], %transpose3A {strides = array<i32>} : memref<1536x100xf32, #tpu.memory_space<vmem>>, vector<1536x100xf32>,
    } else {
    }
    %lt3A = arith.constant 15 : i32
    %lt3A_2 = arith.cmpi slt, %arg0, %lt3A : i32
    %convert_element_type3A_3 = arith.extui %lt3A_2 : i1 to i32
    %cond3A_4 = arith.constant 0 : i32
    %cond3A_5 = arith.cmpi ne, %convert_element_type3A_3, %cond3A_4 : i32
    scf.if %cond3A_5 {
      %mul3A = arith.constant 512 : i32
      %mul3A_20 = arith.muli %arg0, %mul3A : i32
      %mul3A_21 = arith.constant 512 : i32
      %mul3A_22 = arith.muli %arg0, %mul3A_21 : i32
      %dma_wait3A = arith.constant 0 : i32
      %dma_wait3A_23 = tpu.memref_slice %arg8[%mul3A_22, %dma_wait3A] : memref<8100x1536xf32, #tpu.memory_space<vmem>> -> memref<512x1536xf32, #tpu.memory_space<vmem>>
      %dma_wait3A_24 = arith.constant 0 : i32
      %dma_wait3A_25 = tpu.memref_slice %arg3[%mul3A_20, %dma_wait3A_24] : memref<8100x1536xf32, #tpu.memory_space<hbm>> -> memref<512x1536xf32, #tpu.memory_space<hbm>>
      tpu.wait_dma2 semaphore(%arg15 : memref<!tpu.dma_semaphore, #tpu.memory_space<semaphore_mem>>) src(%dma_wait3A_25 : memref<512x1536xf32, #tpu.memory_space<hbm>>) dst(%dma_wait3A_23 : memref<512x1536xf32, #tpu.memory_space<vmem>>)
      %mul3A_26 = arith.constant 512 : i32
      %mul3A_27 = arith.muli %arg0, %mul3A_26 : i32
      %get3A = arith.index_cast %mul3A_27 : i32 to index
      %get3A_28 = arith.constant 0 : index
      %get3A_29 = vector.load %arg8[%get3A, %get3A_28] : memref<8100x1536xf32, #tpu.memory_space<vmem>>, vector<512x1536xf32>
      %get3A_30 = arith.constant 0 : index
      %get3A_31 = arith.constant 0 : index
      %get3A_32 = vector.load %arg9[%get3A_30, %get3A_31] : memref<1536x100xf32, #tpu.memory_space<vmem>>, vector<1536x100xf32>
      %dot_general3A = arith.constant dense<0.000000e+00> : vector<512x100xf32>
      %dot_general3A_33 = tpu.matmul %get3A_29, %get3A_32, %dot_general3A {dimension_numbers = #tpu.dot_dimension_numbers<[1], [0], [0], [1], [0, 0, 1, 1], [], []>, transpose_lhs_hint = false} : vector<512x1536xf32>, vector<1536x100xf32>, vector<512x100xf32> -> vector<512x100xf32>
      %div3A = arith.constant 7.680000e+02 : f32
      %div3A_34 = vector.broadcast %div3A : f32 to vector<512x100xf32>
      %div3A_35 = arith.divf %dot_general3A_33, %div3A_34 : vector<512x100xf32>
      %transpose3A = tpu.transpose %div3A_35, [1, 0] : vector<512x100xf32> -> vector<100x512xf32>
      %swap3A = arith.constant 0 : index
      %swap3A_36 = arith.constant 0 : index
      %swap3A_37 = vector.load %arg4[%swap3A, %swap3A_36] : memref<100x512xf32, #tpu.memory_space<vmem>>, vector<100x512xf32>
      tpu.vector_store %arg4[%swap3A, %swap3A_36], %transpose3A {strides = array<i32>} : memref<100x512xf32, #tpu.memory_space<vmem>>, vector<100x512xf32>,
      %eq3A_38 = arith.constant 0 : i32
      %eq3A_39 = arith.cmpi eq, %arg0, %eq3A_38 : i32
      %mul3A_40 = arith.constant 512 : i32
      %mul3A_41 = arith.muli %arg0, %mul3A_40 : i32
      %iota3A = tpu.iota {dimensions = array<i32: 0>} : vector<512x1xi32>
      %add3A = vector.broadcast %mul3A_41 : i32 to vector<512x1xi32>
      %add3A_42 = arith.addi %add3A, %iota3A : vector<512x1xi32>
      %reduce_max3A = arith.constant dense<0xFF800000> : vector<100xf32>
      %reduce_max3A_43 = vector.multi_reduction <maximumf>, %div3A_35, %reduce_max3A [0] : vector<512x100xf32> to vector<100xf32>
      %broadcast_in_dim3A = vector.shape_cast %reduce_max3A_43 : vector<100xf32> to vector<1x100xf32>
      %eq3A_44 = vector.broadcast %broadcast_in_dim3A : vector<1x100xf32> to vector<512x100xf32>
      %eq3A_45 = arith.cmpf oeq, %div3A_35, %eq3A_44 : vector<512x100xf32>
      %jit3A = arith.constant 2147483647 : i32
      %broadcast_in_dim3A_46 = vector.shape_cast %add3A_42 : vector<512x1xi32> to vector<512x1xi32>
      %broadcast_in_dim3A_47 = vector.broadcast %broadcast_in_dim3A_46 : vector<512x1xi32> to vector<512x100xi32>
      %broadcast_in_dim3A_48 = vector.broadcast %jit3A : i32 to vector<512x100xi32>
      %select_n3A = arith.select %eq3A_45, %broadcast_in_dim3A_47, %broadcast_in_dim3A_48 : vector<512x100xi1>, vector<512x100xi32>
      %reduce_min3A = arith.constant dense<2147483647> : vector<100xi32>
      %reduce_min3A_49 = vector.multi_reduction <minsi>, %select_n3A, %reduce_min3A [0] : vector<512x100xi32> to vector<100xi32>
      %broadcast_in_dim3A_50 = vector.shape_cast %reduce_min3A_49 : vector<100xi32> to vector<1x100xi32>
      %convert_element_type3A_51 = arith.extui %eq3A_39 : i1 to i32
      %cond3A_52 = arith.constant 0 : i32
      %cond3A_53 = arith.cmpi ne, %convert_element_type3A_51, %cond3A_52 : i32
      scf.if %cond3A_53 {
        %broadcast_in_dim3A_71 = arith.constant 0xFF800000 : f32
        %broadcast_in_dim3A_72 = vector.broadcast %broadcast_in_dim3A_71 : f32 to vector<1x100xf32>
        %swap3A_73 = arith.constant 0 : index
        %swap3A_74 = arith.constant 0 : index
        %swap3A_75 = vector.load %arg12[%swap3A_73, %swap3A_74] : memref<1x100xf32, #tpu.memory_space<vmem>>, vector<1x100xf32>
        tpu.vector_store %arg12[%swap3A_73, %swap3A_74], %broadcast_in_dim3A_72 {strides = array<i32>} : memref<1x100xf32, #tpu.memory_space<vmem>>, vector<1x100xf32>,
        %broadcast_in_dim3A_76 = arith.constant 0 : i32
        %broadcast_in_dim3A_77 = vector.broadcast %broadcast_in_dim3A_76 : i32 to vector<1x100xi32>
        %swap3A_78 = arith.constant 0 : index
        %swap3A_79 = arith.constant 0 : index
        %swap3A_80 = vector.load %arg13[%swap3A_78, %swap3A_79] : memref<1x100xi32, #tpu.memory_space<vmem>>, vector<1x100xi32>
        tpu.vector_store %arg13[%swap3A_78, %swap3A_79], %broadcast_in_dim3A_77 {strides = array<i32>} : memref<1x100xi32, #tpu.memory_space<vmem>>, vector<1x100xi32>,
      } else {
      }
      %get3A_54 = arith.constant 0 : index
      %get3A_55 = arith.constant 0 : index
      %get3A_56 = vector.load %arg12[%get3A_54, %get3A_55] : memref<1x100xf32, #tpu.memory_space<vmem>>, vector<1x100xf32>
      %gt3A = arith.cmpf ogt, %broadcast_in_dim3A, %get3A_56 : vector<1x100xf32>
      %get3A_57 = arith.constant 0 : index
      %get3A_58 = arith.constant 0 : index
      %get3A_59 = vector.load %arg12[%get3A_57, %get3A_58] : memref<1x100xf32, #tpu.memory_space<vmem>>, vector<1x100xf32>
      %select_n3A_60 = arith.select %gt3A, %broadcast_in_dim3A, %get3A_59 : vector<1x100xi1>, vector<1x100xf32>
      %swap3A_61 = arith.constant 0 : index
      %swap3A_62 = arith.constant 0 : index
      %swap3A_63 = vector.load %arg12[%swap3A_61, %swap3A_62] : memref<1x100xf32, #tpu.memory_space<vmem>>, vector<1x100xf32>
      tpu.vector_store %arg12[%swap3A_61, %swap3A_62], %select_n3A_60 {strides = array<i32>} : memref<1x100xf32, #tpu.memory_space<vmem>>, vector<1x100xf32>,
      %get3A_64 = arith.constant 0 : index
      %get3A_65 = arith.constant 0 : index
      %get3A_66 = vector.load %arg13[%get3A_64, %get3A_65] : memref<1x100xi32, #tpu.memory_space<vmem>>, vector<1x100xi32>
      %select_n3A_67 = arith.select %gt3A, %broadcast_in_dim3A_50, %get3A_66 : vector<1x100xi1>, vector<1x100xi32>
      %swap3A_68 = arith.constant 0 : index
      %swap3A_69 = arith.constant 0 : index
      %swap3A_70 = vector.load %arg13[%swap3A_68, %swap3A_69] : memref<1x100xi32, #tpu.memory_space<vmem>>, vector<1x100xi32>
      tpu.vector_store %arg13[%swap3A_68, %swap3A_69], %select_n3A_67 {strides = array<i32>} : memref<1x100xi32, #tpu.memory_space<vmem>>, vector<1x100xi32>,
    } else {
    }
    %eq3A_6 = arith.constant 15 : i32
    %eq3A_7 = arith.cmpi eq, %arg0, %eq3A_6 : i32
    %convert_element_type3A_8 = arith.extui %eq3A_7 : i1 to i32
    %cond3A_9 = arith.constant 0 : i32
    %cond3A_10 = arith.cmpi ne, %convert_element_type3A_8, %cond3A_9 : i32
    scf.if %cond3A_10 {
      %dma_wait3A = arith.constant 7680 : i32
      %dma_wait3A_20 = arith.constant 0 : i32
      %dma_wait3A_21 = tpu.memref_slice %arg8[%dma_wait3A, %dma_wait3A_20] : memref<8100x1536xf32, #tpu.memory_space<vmem>> -> memref<420x1536xf32, #tpu.memory_space<vmem>>
      %dma_wait3A_22 = arith.constant 7680 : i32
      %dma_wait3A_23 = arith.constant 0 : i32
      %dma_wait3A_24 = tpu.memref_slice %arg3[%dma_wait3A_22, %dma_wait3A_23] : memref<8100x1536xf32, #tpu.memory_space<hbm>> -> memref<420x1536xf32, #tpu.memory_space<hbm>>
      tpu.wait_dma2 semaphore(%arg15 : memref<!tpu.dma_semaphore, #tpu.memory_space<semaphore_mem>>) src(%dma_wait3A_24 : memref<420x1536xf32, #tpu.memory_space<hbm>>) dst(%dma_wait3A_21 : memref<420x1536xf32, #tpu.memory_space<vmem>>)
      %get3A = arith.constant 7680 : index
      %get3A_25 = arith.constant 0 : index
      %get3A_26 = vector.load %arg8[%get3A, %get3A_25] : memref<8100x1536xf32, #tpu.memory_space<vmem>>, vector<420x1536xf32>
      %get3A_27 = arith.constant 0 : index
      %get3A_28 = arith.constant 0 : index
      %get3A_29 = vector.load %arg9[%get3A_27, %get3A_28] : memref<1536x100xf32, #tpu.memory_space<vmem>>, vector<1536x100xf32>
      %dot_general3A = arith.constant dense<0.000000e+00> : vector<420x100xf32>
      %dot_general3A_30 = tpu.matmul %get3A_26, %get3A_29, %dot_general3A {dimension_numbers = #tpu.dot_dimension_numbers<[1], [0], [0], [1], [0, 0, 1, 1], [], []>, transpose_lhs_hint = false} : vector<420x1536xf32>, vector<1536x100xf32>, vector<420x100xf32> -> vector<420x100xf32>
      %div3A = arith.constant 7.680000e+02 : f32
      %div3A_31 = vector.broadcast %div3A : f32 to vector<420x100xf32>
      %div3A_32 = arith.divf %dot_general3A_30, %div3A_31 : vector<420x100xf32>
      %transpose3A = tpu.transpose %div3A_32, [1, 0] : vector<420x100xf32> -> vector<100x420xf32>
      %swap3A = arith.constant 0 : index
      %swap3A_33 = arith.constant 0 : index
      %swap3A_34 = vector.load %arg4[%swap3A, %swap3A_33] : memref<100x512xf32, #tpu.memory_space<vmem>>, vector<100x420xf32>
      tpu.vector_store %arg4[%swap3A, %swap3A_33], %transpose3A {strides = array<i32>} : memref<100x512xf32, #tpu.memory_space<vmem>>, vector<100x420xf32>,
      %mul3A = arith.constant 512 : i32
      %mul3A_35 = arith.muli %arg0, %mul3A : i32
      %iota3A = tpu.iota {dimensions = array<i32: 0>} : vector<420x1xi32>
      %add3A = vector.broadcast %mul3A_35 : i32 to vector<420x1xi32>
      %add3A_36 = arith.addi %add3A, %iota3A : vector<420x1xi32>
      %reduce_max3A = arith.constant dense<0xFF800000> : vector<100xf32>
      %reduce_max3A_37 = vector.multi_reduction <maximumf>, %div3A_32, %reduce_max3A [0] : vector<420x100xf32> to vector<100xf32>
      %broadcast_in_dim3A = vector.shape_cast %reduce_max3A_37 : vector<100xf32> to vector<1x100xf32>
      %eq3A_38 = vector.broadcast %broadcast_in_dim3A : vector<1x100xf32> to vector<420x100xf32>
      %eq3A_39 = arith.cmpf oeq, %div3A_32, %eq3A_38 : vector<420x100xf32>
      %jit3A = arith.constant 2147483647 : i32
      %broadcast_in_dim3A_40 = vector.shape_cast %add3A_36 : vector<420x1xi32> to vector<420x1xi32>
      %broadcast_in_dim3A_41 = vector.broadcast %broadcast_in_dim3A_40 : vector<420x1xi32> to vector<420x100xi32>
      %broadcast_in_dim3A_42 = vector.broadcast %jit3A : i32 to vector<420x100xi32>
      %select_n3A = arith.select %eq3A_39, %broadcast_in_dim3A_41, %broadcast_in_dim3A_42 : vector<420x100xi1>, vector<420x100xi32>
      %reduce_min3A = arith.constant dense<2147483647> : vector<100xi32>
      %reduce_min3A_43 = vector.multi_reduction <minsi>, %select_n3A, %reduce_min3A [0] : vector<420x100xi32> to vector<100xi32>
      %broadcast_in_dim3A_44 = vector.shape_cast %reduce_min3A_43 : vector<100xi32> to vector<1x100xi32>
      %get3A_45 = arith.constant 0 : index
      %get3A_46 = arith.constant 0 : index
      %get3A_47 = vector.load %arg12[%get3A_45, %get3A_46] : memref<1x100xf32, #tpu.memory_space<vmem>>, vector<1x100xf32>
      %gt3A = arith.cmpf ogt, %broadcast_in_dim3A, %get3A_47 : vector<1x100xf32>
      %get3A_48 = arith.constant 0 : index
      %get3A_49 = arith.constant 0 : index
      %get3A_50 = vector.load %arg12[%get3A_48, %get3A_49] : memref<1x100xf32, #tpu.memory_space<vmem>>, vector<1x100xf32>
      %select_n3A_51 = arith.select %gt3A, %broadcast_in_dim3A, %get3A_50 : vector<1x100xi1>, vector<1x100xf32>
      %swap3A_52 = arith.constant 0 : index
      %swap3A_53 = arith.constant 0 : index
      %swap3A_54 = vector.load %arg12[%swap3A_52, %swap3A_53] : memref<1x100xf32, #tpu.memory_space<vmem>>, vector<1x100xf32>
      tpu.vector_store %arg12[%swap3A_52, %swap3A_53], %select_n3A_51 {strides = array<i32>} : memref<1x100xf32, #tpu.memory_space<vmem>>, vector<1x100xf32>,
      %get3A_55 = arith.constant 0 : index
      %get3A_56 = arith.constant 0 : index
      %get3A_57 = vector.load %arg13[%get3A_55, %get3A_56] : memref<1x100xi32, #tpu.memory_space<vmem>>, vector<1x100xi32>
      %select_n3A_58 = arith.select %gt3A, %broadcast_in_dim3A_44, %get3A_57 : vector<1x100xi1>, vector<1x100xi32>
      %swap3A_59 = arith.constant 0 : index
      %swap3A_60 = arith.constant 0 : index
      %swap3A_61 = vector.load %arg13[%swap3A_59, %swap3A_60] : memref<1x100xi32, #tpu.memory_space<vmem>>, vector<1x100xi32>
      tpu.vector_store %arg13[%swap3A_59, %swap3A_60], %select_n3A_58 {strides = array<i32>} : memref<1x100xi32, #tpu.memory_space<vmem>>, vector<1x100xi32>,
    } else {
    }
    %eq3A_11 = arith.constant 16 : i32
    %eq3A_12 = arith.cmpi eq, %arg0, %eq3A_11 : i32
    %convert_element_type3A_13 = arith.extui %eq3A_12 : i1 to i32
    %cond3A_14 = arith.constant 0 : i32
    %cond3A_15 = arith.cmpi ne, %convert_element_type3A_13, %cond3A_14 : i32
    scf.if %cond3A_15 {
      %get3A = arith.constant 0 : index
      %get3A_20 = arith.constant 0 : index
      %get3A_21 = vector.load %arg1[%get3A, %get3A_20] : memref<100x1536xf32, #tpu.memory_space<vmem>>, vector<100x1536xf32>
      tpu.enqueue_dma source(%arg13 : memref<1x100xi32, #tpu.memory_space<vmem>>) target(%arg14 : memref<1x100xi32, #tpu.memory_space<smem>>) target_semaphore(%arg16 : memref<!tpu.dma_semaphore, #tpu.memory_space<semaphore_mem>>)
      tpu.wait_dma2 semaphore(%arg16 : memref<!tpu.dma_semaphore, #tpu.memory_space<semaphore_mem>>) src(%arg13 : memref<1x100xi32, #tpu.memory_space<vmem>>) dst(%arg14 : memref<1x100xi32, #tpu.memory_space<smem>>)
      %scan3A = arith.constant 0 : i32
      %scan3A_22 = arith.constant 100 : i32
      %scan3A_23 = arith.addi %scan3A, %scan3A_22 : i32
      %scan3A_24 = arith.constant 1 : i32
      scf.for %scan3A_122 = %scan3A to %scan3A_23 step %scan3A_24  : i32 {
        %get3A_123 = arith.constant 0 : index
        %get3A_124 = arith.index_cast %scan3A_122 : i32 to index
        %get3A_125 = memref.load %arg14[%get3A_123, %get3A_124] : memref<1x100xi32, #tpu.memory_space<smem>>
        %get3A_126 = arith.index_cast %get3A_125 : i32 to index
        %get3A_127 = arith.constant 0 : index
        %get3A_128 = vector.load %arg8[%get3A_126, %get3A_127] : memref<8100x1536xf32, #tpu.memory_space<vmem>>, vector<1x1536xf32>
        %swap3A_129 = arith.index_cast %scan3A_122 : i32 to index
        %swap3A_130 = arith.constant 0 : index
        %swap3A_131 = vector.load %arg11[%swap3A_129, %swap3A_130] : memref<100x1536xf32, #tpu.memory_space<vmem>>, vector<1x1536xf32>
        tpu.vector_store %arg11[%swap3A_129, %swap3A_130], %get3A_128 {strides = array<i32>} : memref<100x1536xf32, #tpu.memory_space<vmem>>, vector<1x1536xf32>,
      }
      %scan3A_25 = arith.constant 100 : i32
      %get3A_26 = arith.constant 0 : index
      %get3A_27 = arith.constant 0 : index
      %get3A_28 = vector.load %arg11[%get3A_26, %get3A_27] : memref<100x1536xf32, #tpu.memory_space<vmem>>, vector<100x1536xf32>
      %mul3A = arith.mulf %get3A_21, %get3A_28 : vector<100x1536xf32>
      %reduce_sum3A = arith.constant dense<0.000000e+00> : vector<100xf32>
      %reduce_sum3A_29 = vector.multi_reduction <add>, %mul3A, %reduce_sum3A [1] : vector<100x1536xf32> to vector<100xf32>
      %broadcast_in_dim3A = vector.shape_cast %reduce_sum3A_29 : vector<100xf32> to vector<100x1xf32>
      %mul3A_30 = arith.mulf %get3A_28, %get3A_28 : vector<100x1536xf32>
      %reduce_sum3A_31 = arith.constant dense<0.000000e+00> : vector<100xf32>
      %reduce_sum3A_32 = vector.multi_reduction <add>, %mul3A_30, %reduce_sum3A_31 [1] : vector<100x1536xf32> to vector<100xf32>
      %broadcast_in_dim3A_33 = vector.shape_cast %reduce_sum3A_32 : vector<100xf32> to vector<100x1xf32>
      %div3A = arith.divf %broadcast_in_dim3A, %broadcast_in_dim3A_33 : vector<100x1xf32>
      %swap3A = arith.constant 0 : index
      %swap3A_34 = arith.constant 0 : index
      %swap3A_35 = vector.load %arg5[%swap3A, %swap3A_34] : memref<100x2xf32, #tpu.memory_space<vmem>>, vector<100x1xf32>
      tpu.vector_store %arg5[%swap3A, %swap3A_34], %div3A {strides = array<i32>} : memref<100x2xf32, #tpu.memory_space<vmem>>, vector<100x1xf32>,
      %get3A_36 = arith.constant 0 : index
      %get3A_37 = arith.constant 0 : index
      %get3A_38 = vector.load %arg13[%get3A_36, %get3A_37] : memref<1x100xi32, #tpu.memory_space<vmem>>, vector<1x100xi32>
      %jit3A = arith.constant 90 : i32
      %div3A_39 = vector.broadcast %jit3A : i32 to vector<1x100xi32>
      %div3A_40 = arith.divsi %get3A_38, %div3A_39 : vector<1x100xi32>
      %sign3A = arith.constant 0 : i32
      %sign3A_41 = vector.broadcast %sign3A : i32 to vector<1x100xi32>
      %sign3A_42 = arith.cmpi sgt, %get3A_38, %sign3A_41 : vector<1x100xi32>
      %sign3A_43 = arith.extui %sign3A_42 : vector<1x100xi1> to vector<1x100xi32>
      %sign3A_44 = arith.constant 0 : i32
      %sign3A_45 = vector.broadcast %sign3A_44 : i32 to vector<1x100xi32>
      %sign3A_46 = arith.cmpi slt, %get3A_38, %sign3A_45 : vector<1x100xi32>
      %sign3A_47 = arith.extui %sign3A_46 : vector<1x100xi1> to vector<1x100xi32>
      %sign3A_48 = arith.subi %sign3A_43, %sign3A_47 : vector<1x100xi32>
      %sign3A_49 = arith.constant 0 : i32
      %sign3A_50 = arith.cmpi sgt, %jit3A, %sign3A_49 : i32
      %sign3A_51 = arith.extui %sign3A_50 : i1 to i32
      %sign3A_52 = arith.constant 0 : i32
      %sign3A_53 = arith.cmpi slt, %jit3A, %sign3A_52 : i32
      %sign3A_54 = arith.extui %sign3A_53 : i1 to i32
      %sign3A_55 = arith.subi %sign3A_51, %sign3A_54 : i32
      %ne3A = vector.broadcast %sign3A_55 : i32 to vector<1x100xi32>
      %ne3A_56 = arith.cmpi ne, %sign3A_48, %ne3A : vector<1x100xi32>
      %rem3A = vector.broadcast %jit3A : i32 to vector<1x100xi32>
      %rem3A_57 = arith.remsi %get3A_38, %rem3A : vector<1x100xi32>
      %ne3A_58 = arith.constant 0 : i32
      %ne3A_59 = vector.broadcast %ne3A_58 : i32 to vector<1x100xi32>
      %ne3A_60 = arith.cmpi ne, %rem3A_57, %ne3A_59 : vector<1x100xi32>
      %and3A = arith.andi %ne3A_56, %ne3A_60 : vector<1x100xi1>
      %sub3A = arith.constant 1 : i32
      %sub3A_61 = vector.broadcast %sub3A : i32 to vector<1x100xi32>
      %sub3A_62 = arith.subi %div3A_40, %sub3A_61 : vector<1x100xi32>
      %select_n3A = arith.select %and3A, %sub3A_62, %div3A_40 : vector<1x100xi1>, vector<1x100xi32>
      %jit3A_63 = arith.constant 90 : i32
      %eq3A_64 = arith.constant 0 : i32
      %eq3A_65 = arith.cmpi eq, %jit3A_63, %eq3A_64 : i32
      %jit3A_66 = arith.constant 1 : i32
      %select_n3A_67 = arith.select %eq3A_65, %jit3A_66, %jit3A_63 : i32
      %rem3A_68 = vector.broadcast %select_n3A_67 : i32 to vector<1x100xi32>
      %rem3A_69 = arith.remsi %get3A_38, %rem3A_68 : vector<1x100xi32>
      %ne3A_70 = arith.constant 0 : i32
      %ne3A_71 = vector.broadcast %ne3A_70 : i32 to vector<1x100xi32>
      %ne3A_72 = arith.cmpi ne, %rem3A_69, %ne3A_71 : vector<1x100xi32>
      %lt3A_73 = arith.constant 0 : i32
      %lt3A_74 = vector.broadcast %lt3A_73 : i32 to vector<1x100xi32>
      %lt3A_75 = arith.cmpi slt, %rem3A_69, %lt3A_74 : vector<1x100xi32>
      %lt3A_76 = arith.constant 0 : i32
      %lt3A_77 = arith.cmpi slt, %select_n3A_67, %lt3A_76 : i32
      %ne3A_78 = vector.broadcast %lt3A_77 : i1 to vector<1x100xi1>
      %ne3A_79 = vector.broadcast %ne3A_78 : vector<1x100xi1> to vector<1x100xi1>
      %ne3A_80 = arith.xori %lt3A_75, %ne3A_79 : vector<1x100xi1>
      %and3A_81 = arith.andi %ne3A_80, %ne3A_72 : vector<1x100xi1>
      %add3A = vector.broadcast %select_n3A_67 : i32 to vector<1x100xi32>
      %add3A_82 = arith.addi %rem3A_69, %add3A : vector<1x100xi32>
      %select_n3A_83 = arith.select %and3A_81, %add3A_82, %rem3A_69 : vector<1x100xi1>, vector<1x100xi32>
      %iota3A = tpu.iota {dimensions = array<i32: 0>} : vector<90x1xi32>
      %eq3A_84 = vector.broadcast %iota3A : vector<90x1xi32> to vector<90x100xi32>
      %eq3A_85 = vector.broadcast %select_n3A : vector<1x100xi32> to vector<90x100xi32>
      %eq3A_86 = arith.cmpi eq, %eq3A_84, %eq3A_85 : vector<90x100xi32>
      %convert_element_type3A_87 = arith.extui %eq3A_86 : vector<90x100xi1> to vector<90x100xi32>
      %convert_element_type3A_88 = arith.sitofp %convert_element_type3A_87 : vector<90x100xi32> to vector<90x100xf32>
      %get3A_89 = arith.constant 0 : index
      %get3A_90 = arith.constant 0 : index
      %get3A_91 = vector.load %arg2[%get3A_89, %get3A_90] : memref<90x2xf32, #tpu.memory_space<vmem>>, vector<90x1xf32>
      %mul3A_92 = vector.broadcast %get3A_91 : vector<90x1xf32> to vector<90x100xf32>
      %mul3A_93 = arith.mulf %convert_element_type3A_88, %mul3A_92 : vector<90x100xf32>
      %reduce_sum3A_94 = arith.constant dense<0.000000e+00> : vector<100xf32>
      %reduce_sum3A_95 = vector.multi_reduction <add>, %mul3A_93, %reduce_sum3A_94 [0] : vector<90x100xf32> to vector<100xf32>
      %broadcast_in_dim3A_96 = vector.shape_cast %reduce_sum3A_95 : vector<100xf32> to vector<1x100xf32>
      %eq3A_97 = vector.broadcast %iota3A : vector<90x1xi32> to vector<90x100xi32>
      %eq3A_98 = vector.broadcast %select_n3A_83 : vector<1x100xi32> to vector<90x100xi32>
      %eq3A_99 = arith.cmpi eq, %eq3A_97, %eq3A_98 : vector<90x100xi32>
      %convert_element_type3A_100 = arith.extui %eq3A_99 : vector<90x100xi1> to vector<90x100xi32>
      %convert_element_type3A_101 = arith.sitofp %convert_element_type3A_100 : vector<90x100xi32> to vector<90x100xf32>
      %get3A_102 = arith.constant 0 : index
      %get3A_103 = arith.constant 1 : index
      %get3A_104 = vector.load %arg2[%get3A_102, %get3A_103] : memref<90x2xf32, #tpu.memory_space<vmem>>, vector<90x1xf32>
      %mul3A_105 = vector.broadcast %get3A_104 : vector<90x1xf32> to vector<90x100xf32>
      %mul3A_106 = arith.mulf %convert_element_type3A_101, %mul3A_105 : vector<90x100xf32>
      %reduce_sum3A_107 = arith.constant dense<0.000000e+00> : vector<100xf32>
      %reduce_sum3A_108 = vector.multi_reduction <add>, %mul3A_106, %reduce_sum3A_107 [0] : vector<90x100xf32> to vector<100xf32>
      %broadcast_in_dim3A_109 = vector.shape_cast %reduce_sum3A_108 : vector<100xf32> to vector<1x100xf32>
      %concatenate3A = tpu.concatenate %broadcast_in_dim3A_96, %broadcast_in_dim3A_109 in 0 : vector<1x100xf32>, vector<1x100xf32> -> vector<2x100xf32>
      %swap3A_110 = arith.constant 0 : index
      %swap3A_111 = arith.constant 0 : index
      %swap3A_112 = vector.load %arg6[%swap3A_110, %swap3A_111] : memref<2x100xf32, #tpu.memory_space<vmem>>, vector<2x100xf32>
      tpu.vector_store %arg6[%swap3A_110, %swap3A_111], %concatenate3A {strides = array<i32>} : memref<2x100xf32, #tpu.memory_space<vmem>>, vector<2x100xf32>,
      %mul3A_113 = vector.broadcast %div3A : vector<100x1xf32> to vector<100x1536xf32>
      %mul3A_114 = arith.mulf %mul3A_113, %get3A_28 : vector<100x1536xf32>
      %sub3A_115 = arith.subf %get3A_21, %mul3A_114 : vector<100x1536xf32>
      %swap3A_116 = arith.constant 0 : index
      %swap3A_117 = arith.constant 0 : index
      %swap3A_118 = vector.load %arg10[%swap3A_116, %swap3A_117] : memref<100x1536xf32, #tpu.memory_space<vmem>>, vector<100x1536xf32>
      tpu.vector_store %arg10[%swap3A_116, %swap3A_117], %sub3A_115 {strides = array<i32>} : memref<100x1536xf32, #tpu.memory_space<vmem>>, vector<100x1536xf32>,
      %transpose3A = tpu.transpose %sub3A_115, [1, 0] : vector<100x1536xf32> -> vector<1536x100xf32>
      %swap3A_119 = arith.constant 0 : index
      %swap3A_120 = arith.constant 0 : index
      %swap3A_121 = vector.load %arg9[%swap3A_119, %swap3A_120] : memref<1536x100xf32, #tpu.memory_space<vmem>>, vector<1536x100xf32>
      tpu.vector_store %arg9[%swap3A_119, %swap3A_120], %transpose3A {strides = array<i32>} : memref<1536x100xf32, #tpu.memory_space<vmem>>, vector<1536x100xf32>,
    } else {
    }
    %ge3A = arith.constant 16 : i32
    %ge3A_16 = arith.cmpi sge, %arg0, %ge3A : i32
    %convert_element_type3A_17 = arith.extui %ge3A_16 : i1 to i32
    %cond3A_18 = arith.constant 0 : i32
    %cond3A_19 = arith.cmpi ne, %convert_element_type3A_17, %cond3A_18 : i32
    scf.if %cond3A_19 {
      %sub3A = arith.constant 16 : i32
      %sub3A_20 = arith.subi %arg0, %sub3A : i32
      %lt3A_21 = arith.constant 15 : i32
      %lt3A_22 = arith.cmpi slt, %sub3A_20, %lt3A_21 : i32
      %convert_element_type3A_23 = arith.extui %lt3A_22 : i1 to i32
      %cond3A_24 = arith.constant 0 : i32
      %cond3A_25 = arith.cmpi ne, %convert_element_type3A_23, %cond3A_24 : i32
      scf.if %cond3A_25 {
        %mul3A = arith.constant 512 : i32
        %mul3A_31 = arith.muli %sub3A_20, %mul3A : i32
        %get3A = arith.index_cast %mul3A_31 : i32 to index
        %get3A_32 = arith.constant 0 : index
        %get3A_33 = vector.load %arg8[%get3A, %get3A_32] : memref<8100x1536xf32, #tpu.memory_space<vmem>>, vector<512x1536xf32>
        %get3A_34 = arith.constant 0 : index
        %get3A_35 = arith.constant 0 : index
        %get3A_36 = vector.load %arg9[%get3A_34, %get3A_35] : memref<1536x100xf32, #tpu.memory_space<vmem>>, vector<1536x100xf32>
        %dot_general3A = arith.constant dense<0.000000e+00> : vector<512x100xf32>
        %dot_general3A_37 = tpu.matmul %get3A_33, %get3A_36, %dot_general3A {dimension_numbers = #tpu.dot_dimension_numbers<[1], [0], [0], [1], [0, 0, 1, 1], [], []>, transpose_lhs_hint = false} : vector<512x1536xf32>, vector<1536x100xf32>, vector<512x100xf32> -> vector<512x100xf32>
        %div3A = arith.constant 7.680000e+02 : f32
        %div3A_38 = vector.broadcast %div3A : f32 to vector<512x100xf32>
        %div3A_39 = arith.divf %dot_general3A_37, %div3A_38 : vector<512x100xf32>
        %eq3A_40 = arith.constant 0 : i32
        %eq3A_41 = arith.cmpi eq, %sub3A_20, %eq3A_40 : i32
        %mul3A_42 = arith.constant 512 : i32
        %mul3A_43 = arith.muli %sub3A_20, %mul3A_42 : i32
        %iota3A = tpu.iota {dimensions = array<i32: 0>} : vector<512x1xi32>
        %add3A = vector.broadcast %mul3A_43 : i32 to vector<512x1xi32>
        %add3A_44 = arith.addi %add3A, %iota3A : vector<512x1xi32>
        %reduce_max3A = arith.constant dense<0xFF800000> : vector<100xf32>
        %reduce_max3A_45 = vector.multi_reduction <maximumf>, %div3A_39, %reduce_max3A [0] : vector<512x100xf32> to vector<100xf32>
        %broadcast_in_dim3A = vector.shape_cast %reduce_max3A_45 : vector<100xf32> to vector<1x100xf32>
        %eq3A_46 = vector.broadcast %broadcast_in_dim3A : vector<1x100xf32> to vector<512x100xf32>
        %eq3A_47 = arith.cmpf oeq, %div3A_39, %eq3A_46 : vector<512x100xf32>
        %jit3A = arith.constant 2147483647 : i32
        %broadcast_in_dim3A_48 = vector.shape_cast %add3A_44 : vector<512x1xi32> to vector<512x1xi32>
        %broadcast_in_dim3A_49 = vector.broadcast %broadcast_in_dim3A_48 : vector<512x1xi32> to vector<512x100xi32>
        %broadcast_in_dim3A_50 = vector.broadcast %jit3A : i32 to vector<512x100xi32>
        %select_n3A = arith.select %eq3A_47, %broadcast_in_dim3A_49, %broadcast_in_dim3A_50 : vector<512x100xi1>, vector<512x100xi32>
        %reduce_min3A = arith.constant dense<2147483647> : vector<100xi32>
        %reduce_min3A_51 = vector.multi_reduction <minsi>, %select_n3A, %reduce_min3A [0] : vector<512x100xi32> to vector<100xi32>
        %broadcast_in_dim3A_52 = vector.shape_cast %reduce_min3A_51 : vector<100xi32> to vector<1x100xi32>
        %convert_element_type3A_53 = arith.extui %eq3A_41 : i1 to i32
        %cond3A_54 = arith.constant 0 : i32
        %cond3A_55 = arith.cmpi ne, %convert_element_type3A_53, %cond3A_54 : i32
        scf.if %cond3A_55 {
          %broadcast_in_dim3A_72 = arith.constant 0xFF800000 : f32
          %broadcast_in_dim3A_73 = vector.broadcast %broadcast_in_dim3A_72 : f32 to vector<1x100xf32>
          %swap3A_74 = arith.constant 0 : index
          %swap3A_75 = arith.constant 0 : index
          %swap3A_76 = vector.load %arg12[%swap3A_74, %swap3A_75] : memref<1x100xf32, #tpu.memory_space<vmem>>, vector<1x100xf32>
          tpu.vector_store %arg12[%swap3A_74, %swap3A_75], %broadcast_in_dim3A_73 {strides = array<i32>} : memref<1x100xf32, #tpu.memory_space<vmem>>, vector<1x100xf32>,
          %broadcast_in_dim3A_77 = arith.constant 0 : i32
          %broadcast_in_dim3A_78 = vector.broadcast %broadcast_in_dim3A_77 : i32 to vector<1x100xi32>
          %swap3A_79 = arith.constant 0 : index
          %swap3A_80 = arith.constant 0 : index
          %swap3A_81 = vector.load %arg13[%swap3A_79, %swap3A_80] : memref<1x100xi32, #tpu.memory_space<vmem>>, vector<1x100xi32>
          tpu.vector_store %arg13[%swap3A_79, %swap3A_80], %broadcast_in_dim3A_78 {strides = array<i32>} : memref<1x100xi32, #tpu.memory_space<vmem>>, vector<1x100xi32>,
        } else {
        }
        %get3A_56 = arith.constant 0 : index
        %get3A_57 = arith.constant 0 : index
        %get3A_58 = vector.load %arg12[%get3A_56, %get3A_57] : memref<1x100xf32, #tpu.memory_space<vmem>>, vector<1x100xf32>
        %gt3A = arith.cmpf ogt, %broadcast_in_dim3A, %get3A_58 : vector<1x100xf32>
        %get3A_59 = arith.constant 0 : index
        %get3A_60 = arith.constant 0 : index
        %get3A_61 = vector.load %arg12[%get3A_59, %get3A_60] : memref<1x100xf32, #tpu.memory_space<vmem>>, vector<1x100xf32>
        %select_n3A_62 = arith.select %gt3A, %broadcast_in_dim3A, %get3A_61 : vector<1x100xi1>, vector<1x100xf32>
        %swap3A = arith.constant 0 : index
        %swap3A_63 = arith.constant 0 : index
        %swap3A_64 = vector.load %arg12[%swap3A, %swap3A_63] : memref<1x100xf32, #tpu.memory_space<vmem>>, vector<1x100xf32>
        tpu.vector_store %arg12[%swap3A, %swap3A_63], %select_n3A_62 {strides = array<i32>} : memref<1x100xf32, #tpu.memory_space<vmem>>, vector<1x100xf32>,
        %get3A_65 = arith.constant 0 : index
        %get3A_66 = arith.constant 0 : index
        %get3A_67 = vector.load %arg13[%get3A_65, %get3A_66] : memref<1x100xi32, #tpu.memory_space<vmem>>, vector<1x100xi32>
        %select_n3A_68 = arith.select %gt3A, %broadcast_in_dim3A_52, %get3A_67 : vector<1x100xi1>, vector<1x100xi32>
        %swap3A_69 = arith.constant 0 : index
        %swap3A_70 = arith.constant 0 : index
        %swap3A_71 = vector.load %arg13[%swap3A_69, %swap3A_70] : memref<1x100xi32, #tpu.memory_space<vmem>>, vector<1x100xi32>
        tpu.vector_store %arg13[%swap3A_69, %swap3A_70], %select_n3A_68 {strides = array<i32>} : memref<1x100xi32, #tpu.memory_space<vmem>>, vector<1x100xi32>,
      } else {
      }
      %eq3A_26 = arith.constant 15 : i32
      %eq3A_27 = arith.cmpi eq, %sub3A_20, %eq3A_26 : i32
      %convert_element_type3A_28 = arith.extui %eq3A_27 : i1 to i32
      %cond3A_29 = arith.constant 0 : i32
      %cond3A_30 = arith.cmpi ne, %convert_element_type3A_28, %cond3A_29 : i32
      scf.if %cond3A_30 {
        %get3A = arith.constant 7680 : index
        %get3A_31 = arith.constant 0 : index
        %get3A_32 = vector.load %arg8[%get3A, %get3A_31] : memref<8100x1536xf32, #tpu.memory_space<vmem>>, vector<420x1536xf32>
        %get3A_33 = arith.constant 0 : index
        %get3A_34 = arith.constant 0 : index
        %get3A_35 = vector.load %arg9[%get3A_33, %get3A_34] : memref<1536x100xf32, #tpu.memory_space<vmem>>, vector<1536x100xf32>
        %dot_general3A = arith.constant dense<0.000000e+00> : vector<420x100xf32>
        %dot_general3A_36 = tpu.matmul %get3A_32, %get3A_35, %dot_general3A {dimension_numbers = #tpu.dot_dimension_numbers<[1], [0], [0], [1], [0, 0, 1, 1], [], []>, transpose_lhs_hint = false} : vector<420x1536xf32>, vector<1536x100xf32>, vector<420x100xf32> -> vector<420x100xf32>
        %div3A = arith.constant 7.680000e+02 : f32
        %div3A_37 = vector.broadcast %div3A : f32 to vector<420x100xf32>
        %div3A_38 = arith.divf %dot_general3A_36, %div3A_37 : vector<420x100xf32>
        %mul3A = arith.constant 512 : i32
        %mul3A_39 = arith.muli %sub3A_20, %mul3A : i32
        %iota3A = tpu.iota {dimensions = array<i32: 0>} : vector<420x1xi32>
        %add3A = vector.broadcast %mul3A_39 : i32 to vector<420x1xi32>
        %add3A_40 = arith.addi %add3A, %iota3A : vector<420x1xi32>
        %reduce_max3A = arith.constant dense<0xFF800000> : vector<100xf32>
        %reduce_max3A_41 = vector.multi_reduction <maximumf>, %div3A_38, %reduce_max3A [0] : vector<420x100xf32> to vector<100xf32>
        %broadcast_in_dim3A = vector.shape_cast %reduce_max3A_41 : vector<100xf32> to vector<1x100xf32>
        %eq3A_42 = vector.broadcast %broadcast_in_dim3A : vector<1x100xf32> to vector<420x100xf32>
        %eq3A_43 = arith.cmpf oeq, %div3A_38, %eq3A_42 : vector<420x100xf32>
        %jit3A = arith.constant 2147483647 : i32
        %broadcast_in_dim3A_44 = vector.shape_cast %add3A_40 : vector<420x1xi32> to vector<420x1xi32>
        %broadcast_in_dim3A_45 = vector.broadcast %broadcast_in_dim3A_44 : vector<420x1xi32> to vector<420x100xi32>
        %broadcast_in_dim3A_46 = vector.broadcast %jit3A : i32 to vector<420x100xi32>
        %select_n3A = arith.select %eq3A_43, %broadcast_in_dim3A_45, %broadcast_in_dim3A_46 : vector<420x100xi1>, vector<420x100xi32>
        %reduce_min3A = arith.constant dense<2147483647> : vector<100xi32>
        %reduce_min3A_47 = vector.multi_reduction <minsi>, %select_n3A, %reduce_min3A [0] : vector<420x100xi32> to vector<100xi32>
        %broadcast_in_dim3A_48 = vector.shape_cast %reduce_min3A_47 : vector<100xi32> to vector<1x100xi32>
        %get3A_49 = arith.constant 0 : index
        %get3A_50 = arith.constant 0 : index
        %get3A_51 = vector.load %arg12[%get3A_49, %get3A_50] : memref<1x100xf32, #tpu.memory_space<vmem>>, vector<1x100xf32>
        %gt3A = arith.cmpf ogt, %broadcast_in_dim3A, %get3A_51 : vector<1x100xf32>
        %get3A_52 = arith.constant 0 : index
        %get3A_53 = arith.constant 0 : index
        %get3A_54 = vector.load %arg12[%get3A_52, %get3A_53] : memref<1x100xf32, #tpu.memory_space<vmem>>, vector<1x100xf32>
        %select_n3A_55 = arith.select %gt3A, %broadcast_in_dim3A, %get3A_54 : vector<1x100xi1>, vector<1x100xf32>
        %swap3A = arith.constant 0 : index
        %swap3A_56 = arith.constant 0 : index
        %swap3A_57 = vector.load %arg12[%swap3A, %swap3A_56] : memref<1x100xf32, #tpu.memory_space<vmem>>, vector<1x100xf32>
        tpu.vector_store %arg12[%swap3A, %swap3A_56], %select_n3A_55 {strides = array<i32>} : memref<1x100xf32, #tpu.memory_space<vmem>>, vector<1x100xf32>,
        %get3A_58 = arith.constant 0 : index
        %get3A_59 = arith.constant 0 : index
        %get3A_60 = vector.load %arg13[%get3A_58, %get3A_59] : memref<1x100xi32, #tpu.memory_space<vmem>>, vector<1x100xi32>
        %select_n3A_61 = arith.select %gt3A, %broadcast_in_dim3A_48, %get3A_60 : vector<1x100xi1>, vector<1x100xi32>
        %swap3A_62 = arith.constant 0 : index
        %swap3A_63 = arith.constant 0 : index
        %swap3A_64 = vector.load %arg13[%swap3A_62, %swap3A_63] : memref<1x100xi32, #tpu.memory_space<vmem>>, vector<1x100xi32>
        tpu.vector_store %arg13[%swap3A_62, %swap3A_63], %select_n3A_61 {strides = array<i32>} : memref<1x100xi32, #tpu.memory_space<vmem>>, vector<1x100xi32>,
        %get3A_65 = arith.constant 0 : index
        %get3A_66 = arith.constant 0 : index
        %get3A_67 = vector.load %arg10[%get3A_65, %get3A_66] : memref<100x1536xf32, #tpu.memory_space<vmem>>, vector<100x1536xf32>
        tpu.enqueue_dma source(%arg13 : memref<1x100xi32, #tpu.memory_space<vmem>>) target(%arg14 : memref<1x100xi32, #tpu.memory_space<smem>>) target_semaphore(%arg16 : memref<!tpu.dma_semaphore, #tpu.memory_space<semaphore_mem>>)
        tpu.wait_dma2 semaphore(%arg16 : memref<!tpu.dma_semaphore, #tpu.memory_space<semaphore_mem>>) src(%arg13 : memref<1x100xi32, #tpu.memory_space<vmem>>) dst(%arg14 : memref<1x100xi32, #tpu.memory_space<smem>>)
        %scan3A = arith.constant 0 : i32
        %scan3A_68 = arith.constant 100 : i32
        %scan3A_69 = arith.addi %scan3A, %scan3A_68 : i32
        %scan3A_70 = arith.constant 1 : i32
        scf.for %scan3A_168 = %scan3A to %scan3A_69 step %scan3A_70  : i32 {
          %get3A_169 = arith.constant 0 : index
          %get3A_170 = arith.index_cast %scan3A_168 : i32 to index
          %get3A_171 = memref.load %arg14[%get3A_169, %get3A_170] : memref<1x100xi32, #tpu.memory_space<smem>>
          %get3A_172 = arith.index_cast %get3A_171 : i32 to index
          %get3A_173 = arith.constant 0 : index
          %get3A_174 = vector.load %arg8[%get3A_172, %get3A_173] : memref<8100x1536xf32, #tpu.memory_space<vmem>>, vector<1x1536xf32>
          %swap3A_175 = arith.index_cast %scan3A_168 : i32 to index
          %swap3A_176 = arith.constant 0 : index
          %swap3A_177 = vector.load %arg11[%swap3A_175, %swap3A_176] : memref<100x1536xf32, #tpu.memory_space<vmem>>, vector<1x1536xf32>
          tpu.vector_store %arg11[%swap3A_175, %swap3A_176], %get3A_174 {strides = array<i32>} : memref<100x1536xf32, #tpu.memory_space<vmem>>, vector<1x1536xf32>,
        }
        %scan3A_71 = arith.constant 100 : i32
        %get3A_72 = arith.constant 0 : index
        %get3A_73 = arith.constant 0 : index
        %get3A_74 = vector.load %arg11[%get3A_72, %get3A_73] : memref<100x1536xf32, #tpu.memory_space<vmem>>, vector<100x1536xf32>
        %mul3A_75 = arith.mulf %get3A_67, %get3A_74 : vector<100x1536xf32>
        %reduce_sum3A = arith.constant dense<0.000000e+00> : vector<100xf32>
        %reduce_sum3A_76 = vector.multi_reduction <add>, %mul3A_75, %reduce_sum3A [1] : vector<100x1536xf32> to vector<100xf32>
        %broadcast_in_dim3A_77 = vector.shape_cast %reduce_sum3A_76 : vector<100xf32> to vector<100x1xf32>
        %mul3A_78 = arith.mulf %get3A_74, %get3A_74 : vector<100x1536xf32>
        %reduce_sum3A_79 = arith.constant dense<0.000000e+00> : vector<100xf32>
        %reduce_sum3A_80 = vector.multi_reduction <add>, %mul3A_78, %reduce_sum3A_79 [1] : vector<100x1536xf32> to vector<100xf32>
        %broadcast_in_dim3A_81 = vector.shape_cast %reduce_sum3A_80 : vector<100xf32> to vector<100x1xf32>
        %div3A_82 = arith.divf %broadcast_in_dim3A_77, %broadcast_in_dim3A_81 : vector<100x1xf32>
        %swap3A_83 = arith.constant 0 : index
        %swap3A_84 = arith.constant 1 : index
        %swap3A_85 = vector.load %arg5[%swap3A_83, %swap3A_84] : memref<100x2xf32, #tpu.memory_space<vmem>>, vector<100x1xf32>
        tpu.vector_store %arg5[%swap3A_83, %swap3A_84], %div3A_82 {strides = array<i32>} : memref<100x2xf32, #tpu.memory_space<vmem>>, vector<100x1xf32>,
        %get3A_86 = arith.constant 0 : index
        %get3A_87 = arith.constant 0 : index
        %get3A_88 = vector.load %arg13[%get3A_86, %get3A_87] : memref<1x100xi32, #tpu.memory_space<vmem>>, vector<1x100xi32>
        %jit3A_89 = arith.constant 90 : i32
        %div3A_90 = vector.broadcast %jit3A_89 : i32 to vector<1x100xi32>
        %div3A_91 = arith.divsi %get3A_88, %div3A_90 : vector<1x100xi32>
        %sign3A = arith.constant 0 : i32
        %sign3A_92 = vector.broadcast %sign3A : i32 to vector<1x100xi32>
        %sign3A_93 = arith.cmpi sgt, %get3A_88, %sign3A_92 : vector<1x100xi32>
        %sign3A_94 = arith.extui %sign3A_93 : vector<1x100xi1> to vector<1x100xi32>
        %sign3A_95 = arith.constant 0 : i32
        %sign3A_96 = vector.broadcast %sign3A_95 : i32 to vector<1x100xi32>
        %sign3A_97 = arith.cmpi slt, %get3A_88, %sign3A_96 : vector<1x100xi32>
        %sign3A_98 = arith.extui %sign3A_97 : vector<1x100xi1> to vector<1x100xi32>
        %sign3A_99 = arith.subi %sign3A_94, %sign3A_98 : vector<1x100xi32>
        %sign3A_100 = arith.constant 0 : i32
        %sign3A_101 = arith.cmpi sgt, %jit3A_89, %sign3A_100 : i32
        %sign3A_102 = arith.extui %sign3A_101 : i1 to i32
        %sign3A_103 = arith.constant 0 : i32
        %sign3A_104 = arith.cmpi slt, %jit3A_89, %sign3A_103 : i32
        %sign3A_105 = arith.extui %sign3A_104 : i1 to i32
        %sign3A_106 = arith.subi %sign3A_102, %sign3A_105 : i32
        %ne3A = vector.broadcast %sign3A_106 : i32 to vector<1x100xi32>
        %ne3A_107 = arith.cmpi ne, %sign3A_99, %ne3A : vector<1x100xi32>
        %rem3A = vector.broadcast %jit3A_89 : i32 to vector<1x100xi32>
        %rem3A_108 = arith.remsi %get3A_88, %rem3A : vector<1x100xi32>
        %ne3A_109 = arith.constant 0 : i32
        %ne3A_110 = vector.broadcast %ne3A_109 : i32 to vector<1x100xi32>
        %ne3A_111 = arith.cmpi ne, %rem3A_108, %ne3A_110 : vector<1x100xi32>
        %and3A = arith.andi %ne3A_107, %ne3A_111 : vector<1x100xi1>
        %sub3A_112 = arith.constant 1 : i32
        %sub3A_113 = vector.broadcast %sub3A_112 : i32 to vector<1x100xi32>
        %sub3A_114 = arith.subi %div3A_91, %sub3A_113 : vector<1x100xi32>
        %select_n3A_115 = arith.select %and3A, %sub3A_114, %div3A_91 : vector<1x100xi1>, vector<1x100xi32>
        %jit3A_116 = arith.constant 90 : i32
        %eq3A_117 = arith.constant 0 : i32
        %eq3A_118 = arith.cmpi eq, %jit3A_116, %eq3A_117 : i32
        %jit3A_119 = arith.constant 1 : i32
        %select_n3A_120 = arith.select %eq3A_118, %jit3A_119, %jit3A_116 : i32
        %rem3A_121 = vector.broadcast %select_n3A_120 : i32 to vector<1x100xi32>
        %rem3A_122 = arith.remsi %get3A_88, %rem3A_121 : vector<1x100xi32>
        %ne3A_123 = arith.constant 0 : i32
        %ne3A_124 = vector.broadcast %ne3A_123 : i32 to vector<1x100xi32>
        %ne3A_125 = arith.cmpi ne, %rem3A_122, %ne3A_124 : vector<1x100xi32>
        %lt3A_126 = arith.constant 0 : i32
        %lt3A_127 = vector.broadcast %lt3A_126 : i32 to vector<1x100xi32>
        %lt3A_128 = arith.cmpi slt, %rem3A_122, %lt3A_127 : vector<1x100xi32>
        %lt3A_129 = arith.constant 0 : i32
        %lt3A_130 = arith.cmpi slt, %select_n3A_120, %lt3A_129 : i32
        %ne3A_131 = vector.broadcast %lt3A_130 : i1 to vector<1x100xi1>
        %ne3A_132 = vector.broadcast %ne3A_131 : vector<1x100xi1> to vector<1x100xi1>
        %ne3A_133 = arith.xori %lt3A_128, %ne3A_132 : vector<1x100xi1>
        %and3A_134 = arith.andi %ne3A_133, %ne3A_125 : vector<1x100xi1>
        %add3A_135 = vector.broadcast %select_n3A_120 : i32 to vector<1x100xi32>
        %add3A_136 = arith.addi %rem3A_122, %add3A_135 : vector<1x100xi32>
        %select_n3A_137 = arith.select %and3A_134, %add3A_136, %rem3A_122 : vector<1x100xi1>, vector<1x100xi32>
        %iota3A_138 = tpu.iota {dimensions = array<i32: 0>} : vector<90x1xi32>
        %eq3A_139 = vector.broadcast %iota3A_138 : vector<90x1xi32> to vector<90x100xi32>
        %eq3A_140 = vector.broadcast %select_n3A_115 : vector<1x100xi32> to vector<90x100xi32>
        %eq3A_141 = arith.cmpi eq, %eq3A_139, %eq3A_140 : vector<90x100xi32>
        %convert_element_type3A_142 = arith.extui %eq3A_141 : vector<90x100xi1> to vector<90x100xi32>
        %convert_element_type3A_143 = arith.sitofp %convert_element_type3A_142 : vector<90x100xi32> to vector<90x100xf32>
        %get3A_144 = arith.constant 0 : index
        %get3A_145 = arith.constant 0 : index
        %get3A_146 = vector.load %arg2[%get3A_144, %get3A_145] : memref<90x2xf32, #tpu.memory_space<vmem>>, vector<90x1xf32>
        %mul3A_147 = vector.broadcast %get3A_146 : vector<90x1xf32> to vector<90x100xf32>
        %mul3A_148 = arith.mulf %convert_element_type3A_143, %mul3A_147 : vector<90x100xf32>
        %reduce_sum3A_149 = arith.constant dense<0.000000e+00> : vector<100xf32>
        %reduce_sum3A_150 = vector.multi_reduction <add>, %mul3A_148, %reduce_sum3A_149 [0] : vector<90x100xf32> to vector<100xf32>
        %broadcast_in_dim3A_151 = vector.shape_cast %reduce_sum3A_150 : vector<100xf32> to vector<1x100xf32>
        %eq3A_152 = vector.broadcast %iota3A_138 : vector<90x1xi32> to vector<90x100xi32>
        %eq3A_153 = vector.broadcast %select_n3A_137 : vector<1x100xi32> to vector<90x100xi32>
        %eq3A_154 = arith.cmpi eq, %eq3A_152, %eq3A_153 : vector<90x100xi32>
        %convert_element_type3A_155 = arith.extui %eq3A_154 : vector<90x100xi1> to vector<90x100xi32>
        %convert_element_type3A_156 = arith.sitofp %convert_element_type3A_155 : vector<90x100xi32> to vector<90x100xf32>
        %get3A_157 = arith.constant 0 : index
        %get3A_158 = arith.constant 1 : index
        %get3A_159 = vector.load %arg2[%get3A_157, %get3A_158] : memref<90x2xf32, #tpu.memory_space<vmem>>, vector<90x1xf32>
        %mul3A_160 = vector.broadcast %get3A_159 : vector<90x1xf32> to vector<90x100xf32>
        %mul3A_161 = arith.mulf %convert_element_type3A_156, %mul3A_160 : vector<90x100xf32>
        %reduce_sum3A_162 = arith.constant dense<0.000000e+00> : vector<100xf32>
        %reduce_sum3A_163 = vector.multi_reduction <add>, %mul3A_161, %reduce_sum3A_162 [0] : vector<90x100xf32> to vector<100xf32>
        %broadcast_in_dim3A_164 = vector.shape_cast %reduce_sum3A_163 : vector<100xf32> to vector<1x100xf32>
        %concatenate3A = tpu.concatenate %broadcast_in_dim3A_151, %broadcast_in_dim3A_164 in 0 : vector<1x100xf32>, vector<1x100xf32> -> vector<2x100xf32>
        %swap3A_165 = arith.constant 0 : index
        %swap3A_166 = arith.constant 0 : index
        %swap3A_167 = vector.load %arg7[%swap3A_165, %swap3A_166] : memref<2x100xf32, #tpu.memory_space<vmem>>, vector<2x100xf32>
        tpu.vector_store %arg7[%swap3A_165, %swap3A_166], %concatenate3A {strides = array<i32>} : memref<2x100xf32, #tpu.memory_space<vmem>>, vector<2x100xf32>,
      } else {
      }
    } else {
    }
    return
  }
  func.func @transform_0(%arg0: i32) -> (i32, i32) {
    %c0_i32 = arith.constant 0 : i32
    %c0_i32_0 = arith.constant 0 : i32
    %c0_i32_1 = arith.constant 0 : i32
    return %c0_i32, %c0_i32_0 : i32, i32
  }
  func.func @transform_1(%arg0: i32) -> (i32, i32) {
    %c0_i32 = arith.constant 0 : i32
    %c0_i32_0 = arith.constant 0 : i32
    %c0_i32_1 = arith.constant 0 : i32
    return %c0_i32, %c0_i32_0 : i32, i32
  }
  func.func @transform_3(%arg0: i32) -> (i32, i32) {
    %min3A = arith.constant 15 : i32
    %min3A_0 = arith.minsi %arg0, %min3A : i32
    %c0_i32 = arith.constant 0 : i32
    %c0_i32_1 = arith.constant 0 : i32
    return %c0_i32, %min3A_0 : i32, i32
  }
  func.func @transform_4(%arg0: i32) -> (i32, i32) {
    %c0_i32 = arith.constant 0 : i32
    %c0_i32_0 = arith.constant 0 : i32
    %c0_i32_1 = arith.constant 0 : i32
    return %c0_i32, %c0_i32_0 : i32, i32
  }
  func.func @transform_5(%arg0: i32) -> (i32, i32) {
    %c0_i32 = arith.constant 0 : i32
    %c0_i32_0 = arith.constant 0 : i32
    %c0_i32_1 = arith.constant 0 : i32
    return %c0_i32, %c0_i32_0 : i32, i32
  }
  func.func @transform_6(%arg0: i32) -> (i32, i32) {
    %c0_i32 = arith.constant 0 : i32
    %c0_i32_0 = arith.constant 0 : i32
    %c0_i32_1 = arith.constant 0 : i32
    return %c0_i32, %c0_i32_0 : i32, i32
  }
}

</mosaic_0001>

<sc_bundles>
// kernel: sparse-core-data-format-call.1.cloned.1.call-start
scs
called_computation.1_lowered:
.L_overlay_start_0:
0x0: {  	s2 =	sld [smem:$0x3FD9]  }
0x1: {  	s3 =	sld [smem:$0x3FFE];
	_ =	sdelay $0x1  }
0x2: {  	s1 =	srdreg.scid  }
0x3: {  	s0 =	sand.u32 $0x1, s1  }
0x4: {  	s18 =	sshll.u32 s0, $0xA;
	s2 =	sadd.s32 s3, s2  }
0x5: {  	s2 =	sadd.s32 s2, s18  }
0x6: {  	[smem:$0x3FC5] =	sst s2  }
0x7: {  	_ = 	snop  }
0x8: {  	s2 =	sld [smem:$0x3FC8];
	(tm) =	ssettm $0x1  }
0x9: {  	s19 =	sld [smem:$0x3FFB];
	_ =	sdelay $0x3  }
0xa: {  	_ =	strace s19  }
0xb: {  	s3 =	sld [smem:$0x3FFC];
	_ =	sdelay $0x3  }
0xc: {  	_ =	strace s3  }
0xd: {  	s3 =	sld [smem:$0x3FFD];
	_ =	sdelay $0x3  }
0xe: {  	_ =	strace s3  }
0xf: {  	_ =	strace $0x8FFFFFFF  }
0x10: {  	s20 =	sld [smem:$0x3FDB];
	_ =	sdelay $0x1  }
0x11: {  	s4 =	simm.s32 $_scs_section_size  }
0x12: {  	s5 =	simm.s32 $_size__tile_overlayer_lowered;
	s6 =	simm.s32 $_tile_overlayer_lowered  }
0x13: {  	s23 =	simm.s32 $0x1BFF;
	s22 =	sshll.u32 s6, $0x1;
	s3 =	sadd.s32 s4, s20  }
0x14: {  	s7 =	simm.s32 $0x0;
	s21 =	sshll.u32 s5, $0x1;
	s5 =	sadd.s32 s22, s3  }
0x15: {  	[timem:s7], [sflag:s23] =	dma.local [hbm:s5], s21  }
0x16: {  	_ =	swait.ge [sflag:s23], s21  }
0x17: {  	s4 =	ssub.s32 $0x0, s21;
	[sflag:s23] =	ssyncset.done $0x0  }
0x18: {  	[sflag:s23] =	ssyncadd.s32 s4;
	_ =	sdelay $0x1  }
0x19: {  	s24 =	simm.s32 $0x1B8B  }
0x1a: {  	_ =	swait.ge [sflag:s24], $0x1  }
0x1b: {  	[sflag:s24] =	ssyncset.done $0x0  }
0x1c: {  	s26 =	simm.s32 $0x1B8E;
	s25 =	sld [smem:$0x3FFE];
	[sflag:s24] =	ssyncadd.s32 $0xFFFFFFFF  }
0x1d: {  	s27 =	simm.s32 $execute0_lowered;
	[smem:$0x3FD2] =	sst s26  }
0x1e: {  	s5 =	sshll.u32 s27, $0x1;
	_ =	strace $0x80000046;
	[dreg:$0x1] =	wrdreg $0xFFFFFFFF  }
0x1f: {  	s28 =	simm.s32 $_size_execute0_lowered;
	s3 =	sadd.s32 s3, s5;
	[dreg:$0x0] =	wrdreg $0x0  }
0x20: {  	s5 =	sshll.u32 s28, $0x1;
	[dreg:$0x2] =	wrdreg s3  }
0x21: {  	[dreg:$0x3] =	wrdreg s5  }
0x22: {  	[dreg:$0x4] =	wrdreg $0xC0  }
0x23: {  	_ =	task [dreg:s7], $0x5FFFF  }
0x24: {  	[dreg:$0x1] =	wrdreg $0xFFFFFFFF  }
0x25: {  	[dreg:$0x0] =	wrdreg $0x60  }
0x26: {  	[dreg:$0x2] =	wrdreg s2  }
0x27: {  	[dreg:$0x3] =	wrdreg s25  }
0x28: {  	[dreg:$0x4] =	wrdreg $0x9  }
0x29: {  	_ =	task.clear_ibuf [dreg:s7], $0x5FFFF;
	_ =	strace $0x90000046  }
0x2a: {  	s29 =	simm.s32 $0x9;
	_ =	strace $0x80000048  }
0x2b: {  	_ =	swait.ge [sflag:s29], $0x1  }
0x2c: {  	[sflag:s29] =	ssyncadd.s32 $0xFFFFFFFF  }
0x2d: {  	_ =	strace $0x90000048  }
0x2e: {  	_ =	sfence  }
0x2f: {  	s30 =	sld [smem:$0x0];
	_ =	sdelay $0x2  }
0x30: {  	s31 =	sshll.u32 s1, $0xD;
	s1 =	sshrl.u32 s1, $0x2  }
0x31: {  	s3 =	sand.u32 $0x4000, s31;
	s1 =	sadd.s32 s1, s30  }
0x32: {  	s0 =	sor.u32 s3, s0;
	s1 =	sshll.u32 s1, $0x11  }
0x33: {  	s0 =	sor.u32 s1, s0  }
0x34: {  	s0 =	sadd.s32 $0x8F2B, s0  }
0x35: {  	[sflag:s0] =	ssyncadd.remote.s32 $0x1  }
0x36: {  	_ =	sfence.sel $0xFFFF  }
0x37: {  	[dreg:$0x0] =	wrdreg $0xFFFFFFFF;
	(pc) =	sbr.abs _section_cstart, $3  }
0x38: {  	[dreg:$0x1] =	wrdreg $0xFFFFFFFF  }
0x39: {  	_ =	task.clear_ibuf [dreg:s7], $0x2FFFF;
	_ =	strace $0x9FFFFFFF  }
0x3a: {  	(tm) =	ssettm $0x7FFFFFFF  }
0x3b: {  	_ =	shalt  }
tec
execute0_lowered:
.L_overlay_start_1:
0x0: {  	(tag) =	ssettag $0x1  }
0x1: {  	s3 =	rddreg [dreg:$0x0]  }
0x2: {  	s0 =	srdreg.scid;
	s6 =	rddreg [dreg:$0x1];
	s8 =	simm.s32 $0x2  }
0x3: {  	s21 =	simm.s32 $0x0;
	s10 =	simm.s32 $0x100;
	s0 =	sshll.u32 s0, $0x7  }
0x4: {  	s11 =	simm.s32 $0x800;
	s12 =	simm.s32 $0x0;
	s1 =	sand.u32 $0x80, s0  }
0x5: {  	s20 =	simm.s32 $0x0;
	s22 =	simm.s32 $0x0;
	s2 =	ssub.s32 $0x100, s1  }
0x6: {  	s23 =	simm.s32 $0x0;
	s0 =	stileid.u32;
	s4 =	sshrl.u32 s2, $0x7  }
0x7: {  	s5 =	ssub.s32 $0x69, s0;
	s2 =	sshrl.u32 s2, $0x8;
	s4 =	sand.u32 $0x1, s4  }
0x8: {  	s13 =	simm.s32 $0x0;
	s5 =	sshrl.u32 s5, $0x4;
	s4 =	sadd.s32 s2, s4  }
0x9: {  	s14 =	simm.s32 $0x0;
	s15 =	simm.s32 $0x0;
	s7 =	smul.u32 s4, s5  }
.Ltmp0:
0xa: {  	s16 =	simm.s32 $0x0;
	s17 =	simm.s32 $0x0;
	(pc) =	sbr.rel .LBB1_1-.Ltmp0, $4  }
0xb: {  	s2 =	rddreg [dreg:$0x2];
	_ =	strace $0x80000047;
	s5 =	simm.s32 $0x1  }
0xc: {  	s4 =	sadd.s32 $0xE00, s6;
	[sflag:s5] =	ssyncpa.u1 $0x0;
	s6 =	smul.u32 $0x9, s7  }
0xd: {  	s18 =	stileid.u32;
	s19 =	simm.s32 $0x0;
	[sflag:s8] =	ssyncpa.u1 $0x0  }
0xe: {  	s7 =	sshll.u32 s1, $0x3;
	s8 =	sadd.s32 $0xC00, s3;
	s9 =	sadd.s32 $0x1, s6  }
.LBB1_7:
0xf: {  	p0 =	slt.u32 s19, $0x2;
	s23 =	smov.u32 s22  }
0x10: {  	p1 =	sgt.s32 @!p0 s22, $0x59;
	s24 =	sshra.s32 @!p0 s22, $0x1F;
	p2 =	sgt.s32 @!p0 s20, $0x6  }
0x11: {  	s25 =	sshra.s32 @!p0 s20, $0x1F;
	p1 =	por !p1, p0;
	s22 =	sand.u32 @!p0 s24, s22  }
0x12: {  	s24 =	smov.u32 s21;
	p2 =	por !p2, p0;
	s23 =	simm.s32 @p1 $0x59  }
0x13: {  	p1 =	sgt.s32 @!p0 s21, $0x3A;
	s22 =	ssub.s32 @!p0 s23, s22;
	s23 =	sshra.s32 @!p0 s21, $0x1F  }
0x14: {  	p1 =	por !p1, p0;
	s21 =	sand.u32 @!p0 s23, s21;
	s23 =	smov.u32 s20  }
0x15: {  	s24 =	simm.s32 @p1 $0x3A;
	s20 =	sand.u32 @!p0 s25, s20;
	s23 =	simm.s32 @p2 $0x6  }
0x16: {  	s22 =	sadd.s32 @!p0 $0xFFFFFFA7, s22;
	s21 =	ssub.s32 @!p0 s24, s21;
	s20 =	ssub.s32 @!p0 s23, s20  }
0x17: {  	p1 =	sgt.s32 @!p0 s22, $0x0;
	s22 =	sshll.u32 @!p0 s22, $0x7;
	s24 =	sadd.s32 @!p0 $0xFFFFFFFA, s20  }
0x18: {  	s23 =	sadd.s32 @!p0 $0xFFFFFFC6, s21;
	s22 =	ssub.s32 @!p0 $0x80, s22;
	p2 =	sgt.s32 @!p0 s24, $0x1  }
0x19: {  	p1 =	por !p1, p0;
	s20 =	ssub.s32 @!p0 $0x8, s20;
	p2 =	por !p2, p0  }
0x1a: {  	s22 =	simm.s32 @!p1 $0x0;
	s20 =	simm.s32 @!p2 $0x0;
	p2 =	sgt.s32 @!p0 s23, $0x1F  }
0x1b: {  	s21 =	ssub.s32 @!p0 $0x5A, s21;
	p1 =	por !p2, p0;
	s20 =	smul.u32 @!p0 s20, s22  }
0x1c: {  	s25 =	smov.u32 s17;
	s24 =	sadd.s32 $0x20, s16;
	s21 =	simm.s32 @!p1 $0x0  }
0x1d: {  	p1 =	sgt.s32 s24, $0x59;
	s20 =	smul.u32 @!p0 s21, s20;
	s21 =	sadd.s32 $0x2, s17  }
0x1e: {  	s26 =	smov.u32 s18;
	s25 =	smov.u32 @p1 s21  }
0x1f: {  	s12 =	sadd.s32 $0x2000, s12;
	s21 =	sadd.s32 $0x10, s18;
	p2 =	sgt.s32 s25, $0x5  }
0x20: {  	s23 =	simm.s32 @!p0 $0x2;
	s22 =	smov.u32 s15;
	s26 =	smov.u32 @p2 s21  }
0x21: {  	s15 =	smov.u32 s18;
	s24 =	simm.s32 @p1 $0x0;
	p1 =	sgt.s32 s26, $0x59  }
0x22: {  	s20 =	sand.u32 @!p0 $0x3FFFFF80, s20;
	s26 =	smov.u32 @p1 s0;
	p1 =	sne.s32 s19, s9  }
.Ltmp1:
0x23: {  	_ =	swait.ge @!p0 [sflag:s23], s20;
	s27 =	ssub.s32 @!p0 $0x0, s20;
	(pc) =	sbr.rel @!p1 .LBB1_8-.Ltmp1, $4  }
0x24: {  	s25 =	simm.s32 @p2 $0x0;
	s21 =	smov.u32 s13;
	s20 =	smov.u32 s14  }
0x25: {  	s13 =	smov.u32 s16;
	s14 =	smov.u32 s17;
	s16 =	smov.u32 s24  }
0x26: {  	[sflag:s23] =	ssyncset.done @!p0 $0x0;
	s17 =	smov.u32 s25;
	s19 =	sadd.s32 $0x1, s19  }
0x27: {  	[sflag:s23] =	ssyncadd.s32 @!p0 s27;
	s23 =	smov.u32 s1;
	s18 =	smov.u32 s26  }
.LBB1_1:
0x28: {  	p0 =	sge.u32 s19, s6  }
0x29: {  	s24 =	sshll.u32 @!p0 s16, $0x8  }
0x2a: {  	s25 =	sshll.u32 @!p0 s16, $0x7;
	s24 =	sand.u32 @!p0 $0xFFFFF800, s24  }
0x2b: {  	s25 =	sand.u32 @!p0 $0x300, s25;
	s24 =	sor.u32 @!p0 s7, s24  }
0x2c: {  	s24 =	sor.u32 @!p0 s25, s24  }
0x2d: {  	s26 =	smul.u32 @!p0 $0x4800, s18;
	s24 =	sshrl.u32 @!p0 s24, $0x8  }
0x2e: {  	s25 =	smulhi.u32 @!p0 $0x2AAAAAB, s24  }
0x2f: {  	s27 =	smul.u32 @!p0 $0xC00, s17;
	s28 =	sxor.u32 @!p0 $0xFFFFFFFF, s19;
	s29 =	sshll.u32 @!p0 s16, $0x4  }
0x30: {  	s31 =	simm.s32 @!p0 $0x800;
	s28 =	sshll.u32 @!p0 s28, $0xD;
	s25 =	smul.u32 @!p0 $0x60, s25  }
0x31: {  	s30 =	sadd.s32 @!p0 s26, s27;
	s28 =	sand.u32 @!p0 $0x2000, s28;
	s26 =	sadd.s32 @!p0 s26, s8  }
0x32: {  	s24 =	ssub.s32 @!p0 s24, s25;
	s25 =	sand.u32 @!p0 $0x10, s29;
	s29 =	sadd.s32 @!p0 s3, s30  }
0x33: {  	s26 =	sadd.s32 @!p0 s27, s26;
	s24 =	sshll.u32 @!p0 s24, $0x5;
	s29 =	sadd.s32 @!p0 s25, s29  }
0x34: {  	s30 =	simm.s32 @!p0 $0x400;
	s25 =	sadd.s32 @!p0 s25, s26;
	s29 =	sadd.s32 @!p0 s24, s29  }
0x35: {  	[tilespmem:s28], [sflag:$0x1] =	stream.strided.gather @!p0 [hbm4b:s29+s30], $0x1000, s31, s30, $0x38;
	[tilespmem:$0x8000] =	vst v63  }
0x36: {  	s24 =	sadd.s32 @!p0 s24, s25;
	s25 =	sor.u32 @!p0 $0x1000, s28  }
0x37: {  	[tilespmem:s25], [sflag:$0x1] =	stream.strided.gather @!p0 [hbm4b:s24+s30], $0x1000, s31, s30, $0x38;
	[tilespmem:$0x8000] =	vst v63  }
0x38: {  	s31 =	sadd.s32 $0xFFFFFFFF, s19  }
0x39: {  	p0 =	sge.u32 s31, s6  }
.Ltmp2:
0x3a: {  	_ = 	snop;
	(pc) =	sbr.rel @p0 .LBB1_7-.Ltmp2, $1  }
0x3b: {  	_ =	sdelay $0x3  }
0x3c: {  	s24 =	sshll.u32 s12, $0x2  }
0x3d: {  	_ =	swait.ge [sflag:s5], $0x2000;
	s25 =	sshll.u32 s19, $0xD;
	s27 =	simm.s32 $0x0  }
0x3e: {  	p1 =	por $0x1, $0x1;
	s24 =	sand.u32 $0x8000, s24;
	[sflag:s5] =	ssyncset.done $0x0  }
0x3f: {  	s25 =	sand.u32 $0x2000, s25;
	s26 =	sshrl.u32 s24, $0x2;
	[sflag:s5] =	ssyncadd.s32 $0xFFFFE000  }
0x40: {  	s24 =	sor.u32 $0x4000, s25;
	s25 =	sadd.s32 $0x4040, s26;
	s26 =	sadd.s32 $0x40, s26  }
.LBB1_3:
0x41: {  	s28 =	sshll.u32 s27, $0xC  }
0x42: {  	s28 =	sand.u32 $0x3FFFF000, s28  }
0x43: {  	s28 =	sadd.s32 s28, s26  }
0x44: {  	v0 =	vmov s28;
	_ =	sdelay $0x3  }
0x45: {  	s30 =	simm.s32 $0x0  }
0x46: {  	v6 =	vld.idx.msk [tilespmem:v0+s30+$0x30 ss:$0x1], $0xffff  }
0x47: {  	v7 =	vld.idx.msk [tilespmem:v0+s30+$0xFFFFFFC0 ss:$0x1], $0xffff  }
0x48: {  	v1 =	vld.idx.msk [tilespmem:v0+s30+$0xFFFFFFD0 ss:$0x1], $0xffff  }
0x49: {  	s27 =	sshll.u32 s27, $0x7;
	v2 =	vld.idx.msk [tilespmem:v0+s30+$0xFFFFFFE0 ss:$0x1], $0xffff  }
0x4a: {  	s27 =	sand.u32 $0x3FFFFF80, s27;
	v3 =	vld.idx.msk [tilespmem:v0+s30+$0xFFFFFFF0 ss:$0x1], $0xffff  }
0x4b: {  	s27 =	sadd.s32 s27, s25;
	v4 =	vld.idx.msk [tilespmem:v0+s30+$0x0 ss:$0x1], $0xffff  }
0x4c: {  	v5 =	vld.idx.msk [tilespmem:v0+s30+$0x10 ss:$0x1], $0xffff;
	[tilespmem:s27+$0x30] =	vst v6  }
0x4d: {  	p0 =	por p1, p1;
	s29 =	simm.s32 $0x400;
	s28 =	simm.s32 $0x80;
	[tilespmem:s27+$0xFFFFFFC0] =	vst v7;
	v6 =	vld.idx.msk [tilespmem:v0+s30+$0x20 ss:$0x1], $0xffff  }
.LBB1_4:
0x4e: {  	p1 =	sne.s32 s29, $0x3E00;
	v7 =	vld.idx.msk [tilespmem:v0+s28+$0x30 ss:$0x1], $0xffff;
	[tilespmem:s27+$0xFFFFFFD0] =	vst v1  }
0x4f: {  	v8 =	vld.idx.msk [tilespmem:v0+s28+$0xFFFFFFC0 ss:$0x1], $0xffff;
	[tilespmem:s27+$0xFFFFFFE0] =	vst v2  }
0x50: {  	v1 =	vld.idx.msk [tilespmem:v0+s28+$0xFFFFFFD0 ss:$0x1], $0xffff;
	[tilespmem:s27+$0xFFFFFFF0] =	vst v3  }
.Ltmp3:
0x51: {  	v2 =	vld.idx.msk [tilespmem:v0+s28+$0xFFFFFFE0 ss:$0x1], $0xffff;
	[tilespmem:s27+$0x0] =	vst v4;
	(pc) =	sbr.rel @p1 .LBB1_4-.Ltmp3, $4  }
0x52: {  	v3 =	vld.idx.msk [tilespmem:v0+s28+$0xFFFFFFF0 ss:$0x1], $0xffff;
	[tilespmem:s27+$0x10] =	vst v5  }
0x53: {  	v4 =	vld.idx.msk [tilespmem:v0+s28+$0x0 ss:$0x1], $0xffff;
	[tilespmem:s27+$0x20] =	vst v6;
	s27 =	sadd.s32 $0x100, s27  }
0x54: {  	v5 =	vld.idx.msk [tilespmem:v0+s28+$0x10 ss:$0x1], $0xffff;
	[tilespmem:s27+$0x30] =	vst v7  }
0x55: {  	[tilespmem:s27+$0xFFFFFFC0] =	vst v8;
	v6 =	vld.idx.msk [tilespmem:v0+s28+$0x20 ss:$0x1], $0xffff;
	s28 =	sshra.s32 s29, $0x2;
	s29 =	sadd.s32 $0x200, s29  }
0x56: {  	_ =	sdelay $0x2  }
0x57: {  	[tilespmem:s27+$0xFFFFFFD0] =	vst v1  }
0x58: {  	v56 =	vld.idx.msk [tilespmem:v0+s28+$0x30 ss:$0x1], $0xffff;
	[tilespmem:s27+$0xFFFFFFE0] =	vst v2  }
0x59: {  	v57 =	vld.idx.msk [tilespmem:v0+s28+$0xFFFFFFC0 ss:$0x1], $0xffff;
	[tilespmem:s27+$0xFFFFFFF0] =	vst v3  }
0x5a: {  	v58 =	vld.idx.msk [tilespmem:v0+s28+$0xFFFFFFD0 ss:$0x1], $0xffff;
	[tilespmem:s27+$0x0] =	vst v4  }
0x5b: {  	v59 =	vld.idx.msk [tilespmem:v0+s28+$0xFFFFFFE0 ss:$0x1], $0xffff;
	[tilespmem:s27+$0x10] =	vst v5  }
0x5c: {  	v60 =	vld.idx.msk [tilespmem:v0+s28+$0xFFFFFFF0 ss:$0x1], $0xffff;
	[tilespmem:s27+$0x20] =	vst v6;
	s27 =	sadd.s32 $0x100, s27  }
0x5d: {  	v61 =	vld.idx.msk [tilespmem:v0+s28+$0x0 ss:$0x1], $0xffff;
	[tilespmem:s27+$0x30] =	vst v56  }
0x5e: {  	v62 =	vld.idx.msk [tilespmem:v0+s28+$0x10 ss:$0x1], $0xffff;
	[tilespmem:s27+$0xFFFFFFC0] =	vst v57  }
0x5f: {  	v63 =	vld.idx.msk [tilespmem:v0+s28+$0x20 ss:$0x1], $0xffff;
	[tilespmem:s27+$0xFFFFFFD0] =	vst v58  }
.Ltmp4:
0x60: {  	[tilespmem:s27+$0xFFFFFFE0] =	vst v59;
	(pc) =	sbr.rel @p0 .LBB1_3-.Ltmp4, $4  }
0x61: {  	[tilespmem:s27+$0xFFFFFFF0] =	vst v60  }
0x62: {  	[tilespmem:s27+$0x0] =	vst v61  }
0x63: {  	[tilespmem:s27+$0x10] =	vst v62  }
0x64: {  	p1 =	por $0x0, $0x0;
	[tilespmem:s27+$0x20] =	vst v63;
	s27 =	simm.s32 $0x1  }
0x65: {  	p0 =	sgt.s32 s15, $0x59;
	s25 =	smov.u32 s15;
	s26 =	sshra.s32 s15, $0x1F  }
0x66: {  	s27 =	sshra.s32 s14, $0x1F;
	s28 =	smov.u32 s13;
	s29 =	sshra.s32 s13, $0x1F  }
0x67: {  	s25 =	simm.s32 @!p0 $0x59;
	s26 =	sand.u32 s26, s15;
	p0 =	sgt.s32 s14, $0x6  }
0x68: {  	s27 =	sand.u32 s27, s14;
	s25 =	ssub.s32 s25, s26;
	s26 =	smov.u32 s14  }
0x69: {  	s25 =	sadd.s32 $0xFFFFFFA7, s25;
	s26 =	simm.s32 @!p0 $0x6;
	p0 =	sgt.s32 s13, $0x3A  }
0x6a: {  	s26 =	ssub.s32 s26, s27;
	p1 =	sgt.s32 s25, $0x0;
	s28 =	simm.s32 @!p0 $0x3A  }
0x6b: {  	s27 =	sand.u32 s29, s13;
	s25 =	sshll.u32 s25, $0x7;
	s29 =	smul.u32 $0x5A00, s15  }
0x6c: {  	s27 =	ssub.s32 s28, s27;
	s30 =	sadd.s32 $0xFFFFFFFA, s26;
	s26 =	ssub.s32 $0x8, s26  }
0x6d: {  	s25 =	ssub.s32 $0x80, s25;
	p0 =	sgt.s32 s30, $0x1;
	s31 =	sadd.s32 $0xFFFFFFC6, s27  }
0x6e: {  	s25 =	simm.s32 @p1 $0x0;
	s27 =	ssub.s32 $0x5A, s27;
	s26 =	simm.s32 @p0 $0x0  }
0x6f: {  	s30 =	sshll.u32 s14, $0x4;
	p0 =	sgt.s32 s31, $0x1F;
	s25 =	smul.u32 s26, s25  }
.Ltmp5:
0x70: {  	s31 =	sshll.u32 s13, $0x8;
	s27 =	simm.s32 @p0 $0x0;
	(pc) =	sbr.rel .LBB1_7-.Ltmp5, $4  }
0x71: {  	s26 =	sadd.s32 s4, s29;
	s25 =	smul.u32 s27, s25;
	s27 =	sand.u32 $0x70, s30  }
0x72: {  	s26 =	sadd.s32 s31, s26;
	s23 =	sor.u32 s23, s27  }
0x73: {  	s25 =	sand.u32 $0x3FFFFF80, s25;
	s23 =	sadd.s32 s23, s26  }
0x74: {  	[hbm4b:s23+s10] =	stream.strided.scatter [tilespmem:s24], [sflag:$0x2], s25, s11, s10, $0x38;
	[tilespmem:$0x8000] =	vst v63  }
.LBB1_8:
0x75: {  	_ =	sfence.sel $0x180000  }
0x76: {  	s1 =	simm.s32 $0x1;
	[bflag:$0x0] =	sbarrier.arrive $0xFFFF  }
0x77: {  	s31 =	simm.s32 $0x2;
	[sflag:s1] =	ssyncpa.u1 $0x1  }
0x78: {  	[sflag:s31] =	ssyncpa.u1 $0x1  }
0x79: {  	p0 =	sne.s32 s0, $0x0;
	_ =	strace $0x90000047  }
0x7a: {  	s0 =	sadd.s32 @!p0 $0x100000, s2;
	[bflag:$0x2] =	sbarrier.arrive $0xFFFF  }
0x7b: {  	[sflag:s0] =	ssyncadd.tile.s32 @!p0 $0x1;
	_ =	shalt  }
.Lfunc_end1:
_tile_overlayer_lowered:
.L_overlay_start_2:
0x7c: {  	(tag) =	ssettag $0x2  }
0x7d: {  	s0 =	rddreg [dreg:$0x0];
	s2 =	stileid.u32  }
0x7e: {  	s1 =	rddreg [dreg:$0x1];
	p0 =	sne.s32 s2, $0x0  }
0x7f: {  	s3 =	rddreg [dreg:$0x2];
	[bflag:$0x3] =	sbarrier.arrive $0xFFFF;
	s2 =	simm.s32 @!p0 $0x1C01  }
0x80: {  	[timem:s3], [sflag:s2] =	dma.local @!p0 [hbm:s0], s1  }
0x81: {  	s0 =	simm.s32 @!p0 $0x1  }
0x82: {  	_ =	swait.ge @!p0 [sflag:s0], s1  }
0x83: {  	s1 =	ssub.s32 @!p0 $0x0, s1;
	[sflag:s0] =	ssyncset.done @!p0 $0x0  }
0x84: {  	[sflag:s0] =	ssyncadd.s32 @!p0 s1  }
0x85: {  	[bflag:$0x3] =	sbarrier.arrive $0xFFFF  }
0x86: {  	_ =	shalt  }

// kernel: sparse-core-data-format-call.cloned.1.call-start
scs
called_computation_lowered:
.L_overlay_start_0:
0x0: {  	s1 =	sld [smem:$0x3FD9]  }
0x1: {  	s2 =	sld [smem:$0x3FFE];
	_ =	sdelay $0x1  }
0x2: {  	s3 =	srdreg.scid  }
0x3: {  	s0 =	sand.u32 $0x1, s3  }
0x4: {  	s17 =	sshll.u32 s0, $0xA;
	s1 =	sadd.s32 s2, s1  }
0x5: {  	s1 =	sadd.s32 s1, s17  }
0x6: {  	[smem:$0x3FC5] =	sst s1  }
0x7: {  	_ = 	snop  }
0x8: {  	(tm) =	ssettm $0x1  }
0x9: {  	s18 =	sld [smem:$0x3FFB];
	_ =	sdelay $0x3  }
0xa: {  	_ =	strace s18  }
0xb: {  	s1 =	sld [smem:$0x3FFC];
	_ =	sdelay $0x3  }
0xc: {  	_ =	strace s1  }
0xd: {  	s1 =	sld [smem:$0x3FFD];
	_ =	sdelay $0x3  }
0xe: {  	_ =	strace s1  }
0xf: {  	_ =	strace $0x8FFFFFFF  }
0x10: {  	s19 =	sld [smem:$0x3FDB];
	_ =	sdelay $0x1  }
0x11: {  	s20 =	simm.s32 $_scs_section_size  }
0x12: {  	s4 =	simm.s32 $_size__tile_overlayer_lowered;
	s5 =	simm.s32 $_tile_overlayer_lowered  }
0x13: {  	s23 =	simm.s32 $0x1BFF;
	s22 =	sshll.u32 s5, $0x1;
	s1 =	sadd.s32 s20, s19  }
0x14: {  	s6 =	simm.s32 $0x0;
	s21 =	sshll.u32 s4, $0x1;
	s4 =	sadd.s32 s22, s1  }
0x15: {  	[timem:s6], [sflag:s23] =	dma.local [hbm:s4], s21  }
0x16: {  	_ =	swait.ge [sflag:s23], s21  }
0x17: {  	s2 =	ssub.s32 $0x0, s21;
	[sflag:s23] =	ssyncset.done $0x0  }
0x18: {  	[sflag:s23] =	ssyncadd.s32 s2;
	_ =	sdelay $0x1  }
0x19: {  	s24 =	simm.s32 $0x1B8B  }
0x1a: {  	_ =	swait.ge [sflag:s24], $0x1  }
0x1b: {  	[sflag:s24] =	ssyncset.done $0x0  }
0x1c: {  	s26 =	simm.s32 $0x1B8E;
	s25 =	sld [smem:$0x3FFE];
	[sflag:s24] =	ssyncadd.s32 $0xFFFFFFFF  }
0x1d: {  	s27 =	simm.s32 $execute0_lowered;
	[smem:$0x3FD2] =	sst s26  }
0x1e: {  	s4 =	sshll.u32 s27, $0x1;
	_ =	strace $0x80000049;
	[dreg:$0x1] =	wrdreg $0xFFFFFFFF  }
0x1f: {  	s28 =	simm.s32 $_size_execute0_lowered;
	s1 =	sadd.s32 s1, s4;
	[dreg:$0x0] =	wrdreg $0x0  }
0x20: {  	s4 =	sshll.u32 s28, $0x1;
	[dreg:$0x2] =	wrdreg s1  }
0x21: {  	[dreg:$0x3] =	wrdreg s4  }
0x22: {  	[dreg:$0x4] =	wrdreg $0xC0  }
0x23: {  	_ =	task [dreg:s6], $0x5FFFF  }
0x24: {  	[dreg:$0x1] =	wrdreg $0xFFFFFFFF  }
0x25: {  	[dreg:$0x0] =	wrdreg $0x60  }
0x26: {  	[dreg:$0x2] =	wrdreg s25  }
0x27: {  	[dreg:$0x3] =	wrdreg $0x9  }
0x28: {  	_ =	task.clear_ibuf [dreg:s6], $0x4FFFF;
	_ =	strace $0x90000049  }
0x29: {  	s29 =	simm.s32 $0x9;
	_ =	strace $0x8000004B  }
0x2a: {  	_ =	swait.ge [sflag:s29], $0x1  }
0x2b: {  	[sflag:s29] =	ssyncadd.s32 $0xFFFFFFFF  }
0x2c: {  	_ =	strace $0x9000004B  }
0x2d: {  	_ =	sfence  }
0x2e: {  	s30 =	sld [smem:$0x0];
	_ =	sdelay $0x2  }
0x2f: {  	s31 =	sshll.u32 s3, $0xD;
	s3 =	sshrl.u32 s3, $0x2  }
0x30: {  	s2 =	sand.u32 $0x4000, s31;
	s1 =	sadd.s32 s3, s30  }
0x31: {  	s0 =	sor.u32 s2, s0;
	s1 =	sshll.u32 s1, $0x11  }
0x32: {  	s0 =	sor.u32 s1, s0  }
0x33: {  	s0 =	sadd.s32 $0x8F2B, s0  }
0x34: {  	[sflag:s0] =	ssyncadd.remote.s32 $0x1  }
0x35: {  	_ =	sfence.sel $0xFFFF  }
0x36: {  	[dreg:$0x0] =	wrdreg $0xFFFFFFFF;
	(pc) =	sbr.abs _section_cstart, $3  }
0x37: {  	[dreg:$0x1] =	wrdreg $0xFFFFFFFF  }
0x38: {  	_ =	task.clear_ibuf [dreg:s6], $0x2FFFF;
	_ =	strace $0x9FFFFFFF  }
0x39: {  	(tm) =	ssettm $0x7FFFFFFF  }
tec
execute0_lowered:
.L_overlay_start_1:
0x0: {  	(tag) =	ssettag $0x1  }
0x1: {  	s0 =	rddreg [dreg:$0x0];
	_ =	strace $0x8000004A;
	s1 =	srdreg.scid  }
0x2: {  	s30 =	stileid.u32;
	s2 =	simm.s32 $0x1;
	s31 =	simm.s32 $0x2  }
0x3: {  	s16 =	simm.s32 $0x0;
	s18 =	simm.s32 $0x0;
	s17 =	simm.s32 $0x0  }
0x4: {  	s19 =	simm.s32 $0x0;
	s7 =	simm.s32 $0x0;
	s8 =	simm.s32 $0x0  }
0x5: {  	s10 =	simm.s32 $0x0;
	s12 =	simm.s32 $0x0;
	s22 =	sadd.s32 $0x1FB200, s0  }
.Ltmp0:
0x6: {  	s0 =	sadd.s32 $0xE00, s0;
	s29 =	sshll.u32 s1, $0x4;
	(pc) =	sbr.rel .LBB1_1-.Ltmp0, $4  }
0x7: {  	s11 =	simm.s32 $0x0;
	[dreg:$0x2] =	wrdreg s0;
	s0 =	sand.u32 $0x10, s29  }
0x8: {  	s13 =	simm.s32 $0x0;
	s14 =	simm.s32 $0x0;
	s0 =	sor.u32 s30, s0  }
0x9: {  	s9 =	simm.s32 $0x0;
	[sflag:s2] =	ssyncpa.u1 $0x0;
	s5 =	sshll.u32 s0, $0x4  }
0xa: {  	[sflag:s31] =	ssyncpa.u1 $0x0;
	s15 =	smov.u32 s5;
	[dreg:$0x3] =	wrdreg s5  }
.LBB1_12:
0xb: {  	p0 =	sgt.s32 s8, $0x5;
	s0 =	smov.u32 s8  }
0xc: {  	s26 =	sand.u32 $0x78, s7;
	s2 =	sshll.u32 s7, $0x3;
	s0 =	simm.s32 @!p0 $0x5  }
0xd: {  	s3 =	sshll.u32 s10, $0x7;
	s4 =	smul.u32 $0x600, s12;
	s0 =	sadd.s32 s21, s0  }
0xe: {  	s6 =	sshll.u32 s8, $0x8;
	s27 =	rddreg [dreg:$0x2];
	s1 =	sadd.s32 $0xFFFFFFFB, s0  }
0xf: {  	s28 =	sand.u32 $0x7, s7;
	s0 =	ssub.s32 $0x6, s0;
	p0 =	sgt.s32 s1, $0x0  }
0x10: {  	s29 =	sor.u32 $0x8000, s23;
	s3 =	sand.u32 $0x380, s3;
	s0 =	simm.s32 @p0 $0x0  }
0x11: {  	s2 =	sand.u32 $0x400, s2;
	s1 =	sor.u32 s26, s3;
	s0 =	smul.u32 s0, s20  }
0x12: {  	s3 =	sshll.u32 s28, $0x12;
	s1 =	sor.u32 s2, s1;
	s2 =	sadd.s32 s27, s4  }
0x13: {  	s1 =	sshrl.u32 s1, $0x3;
	s2 =	sadd.s32 s6, s2;
	s0 =	smul.u32 s22, s0  }
0x14: {  	s31 =	simm.s32 $0x3000;
	s30 =	sor.u32 $0x400, s3;
	s1 =	sadd.s32 s1, s2  }
0x15: {  	s22 =	smov.u32 s5;
	s5 =	rddreg [dreg:$0x3];
	s0 =	sand.u32 $0x3FFFFFFF, s0  }
0x16: {  	[hbm4b:s1+s30] =	stream.strided.scatter [tilespmem:s29], [sflag:$0x2], s0, s31, s30, $0x38;
	[tilespmem:$0x10000] =	vst v63  }
.LBB1_13:
0x17: {  	p0 =	slt.u32 s9, $0x2  }
0x18: {  	s0 =	smov.u32 s19;
	s2 =	smov.u32 s18;
	p1 =	sgt.s32 @!p0 s19, $0x3E5  }
0x19: {  	s6 =	sadd.s32 $0x80, s11;
	s9 =	sadd.s32 $0x1, s9;
	p1 =	por !p1, p0  }
0x1a: {  	s1 =	sshra.s32 @!p0 s19, $0x1F;
	s0 =	simm.s32 @p1 $0x3E5;
	p1 =	sgt.s32 @!p0 s18, $0x5  }
0x1b: {  	s3 =	sshra.s32 @!p0 s18, $0x1F;
	s1 =	sand.u32 @!p0 s1, s19;
	p1 =	por !p1, p0  }
0x1c: {  	s0 =	ssub.s32 @!p0 s0, s1;
	s1 =	sand.u32 @!p0 s3, s18;
	s2 =	simm.s32 @p1 $0x5  }
0x1d: {  	s4 =	sshra.s32 @!p0 s16, $0x1F;
	s3 =	sadd.s32 @!p0 $0xFFFFFC1B, s0;
	s1 =	ssub.s32 @!p0 s2, s1  }
0x1e: {  	s4 =	sand.u32 @!p0 s4, s16;
	p1 =	sgt.s32 @!p0 s3, $0xF;
	s2 =	sadd.s32 @!p0 $0xFFFFFFFB, s1  }
0x1f: {  	s0 =	ssub.s32 @!p0 $0x3F5, s0;
	p1 =	por !p1, p0;
	p2 =	sgt.s32 @!p0 s2, $0x0  }
0x20: {  	s1 =	ssub.s32 @!p0 $0x6, s1;
	s0 =	simm.s32 @!p1 $0x0;
	p1 =	por !p2, p0  }
0x21: {  	s2 =	ssub.s32 @!p0 $0x0, s17;
	s1 =	simm.s32 @!p1 $0x0;
	p1 =	sgt.s32 @!p0 s16, $0x80  }
0x22: {  	s3 =	smov.u32 s16;
	s2 =	smin.u32 @!p0 s17, s2;
	p1 =	por !p1, p0  }
0x23: {  	s19 =	smov.u32 s12;
	p2 =	sgt.s32 @!p0 s2, $0x7;
	s3 =	simm.s32 @p1 $0x80  }
0x24: {  	s2 =	ssub.s32 @!p0 $0x8, s2;
	p1 =	por !p2, p0;
	s3 =	ssub.s32 @!p0 s3, s4  }
0x25: {  	s2 =	simm.s32 @!p1 $0x0;
	p1 =	sgt.s32 s6, $0xFF;
	s4 =	sadd.s32 @!p0 $0xFFFFFF80, s3  }
0x26: {  	s0 =	smul.u32 @!p0 s0, s2;
	s2 =	simm.s32 $0x1;
	s3 =	ssub.s32 @!p0 $0x100, s3  }
0x27: {  	p2 =	sgt.s32 @!p0 s4, $0x7F;
	s2 =	simm.s32 @!p1 $0x0;
	s4 =	smov.u32 s14  }
0x28: {  	p2 =	por !p2, p0;
	s0 =	smul.u32 @!p0 s1, s0;
	s1 =	sadd.s32 s2, s13  }
0x29: {  	s2 =	sadd.s32 $0x8, s14;
	s3 =	simm.s32 @!p2 $0x0;
	p2 =	sgt.s32 s1, $0x5  }
0x2a: {  	s6 =	simm.s32 @p1 $0x0;
	s0 =	smul.u32 @!p0 s3, s0;
	s4 =	smov.u32 @p2 s2  }
0x2b: {  	s2 =	sadd.s32 $0x200, s15;
	s3 =	smov.u32 s15;
	p1 =	sgt.s32 s4, $0x7  }
0x2c: {  	s12 =	smov.u32 s15;
	s18 =	smov.u32 s8;
	s3 =	smov.u32 @p1 s2  }
0x2d: {  	s8 =	smov.u32 s13;
	s4 =	simm.s32 @p1 $0x0;
	p1 =	sgt.s32 s3, $0x3F4  }
0x2e: {  	s17 =	smov.u32 s10;
	s3 =	smov.u32 @p1 s5;
	p1 =	sne.s32 s9, $0x1A  }
.Ltmp1:
0x2f: {  	s10 =	smov.u32 s14;
	s16 =	smov.u32 s7;
	(pc) =	sbr.rel @!p1 .LBB1_14-.Ltmp1, $4  }
0x30: {  	s7 =	smov.u32 s11;
	s0 =	sand.u32 @!p0 $0x3FFFFFFF, s0;
	s2 =	simm.s32 @!p0 $0x2  }
0x31: {  	s11 =	smov.u32 s6;
	s1 =	simm.s32 @p2 $0x0;
	_ =	swait.ge @!p0 [sflag:s2], s0  }
0x32: {  	s13 =	smov.u32 s1;
	s0 =	ssub.s32 @!p0 $0x0, s0;
	[sflag:s2] =	ssyncset.done @!p0 $0x0  }
0x33: {  	s14 =	smov.u32 s4;
	[sflag:s2] =	ssyncadd.s32 @!p0 s0;
	s15 =	smov.u32 s3  }
.LBB1_1:
0x34: {  	p0 =	sgt.u32 s9, $0x17  }
0x35: {  	p1 =	sgt.s32 @!p0 s15, $0x3E5  }
0x36: {  	s0 =	smov.u32 s15;
	s1 =	sshra.s32 @!p0 s15, $0x1F;
	p1 =	por !p1, p0  }
0x37: {  	s1 =	sand.u32 @!p0 s1, s15;
	s0 =	simm.s32 @p1 $0x3E5  }
0x38: {  	s0 =	ssub.s32 @!p0 s0, s1  }
0x39: {  	s3 =	smov.u32 s13;
	s1 =	sadd.s32 @!p0 $0xFFFFFC1B, s0  }
0x3a: {  	p2 =	sgt.s32 @!p0 s13, $0x7;
	p1 =	sgt.s32 @!p0 s1, $0xF;
	s1 =	ssub.s32 @!p0 $0x0, s14  }
0x3b: {  	s0 =	ssub.s32 @!p0 $0x3F5, s0;
	p1 =	por !p1, p0;
	s1 =	smin.u32 @!p0 s14, s1  }
0x3c: {  	s4 =	sshra.s32 @!p0 s13, $0x1F;
	s0 =	simm.s32 @!p1 $0x0;
	p1 =	sgt.s32 @!p0 s1, $0x7  }
0x3d: {  	s6 =	sshra.s32 @!p0 s11, $0x1F;
	s1 =	ssub.s32 @!p0 $0x8, s1;
	p1 =	por !p1, p0  }
0x3e: {  	s21 =	sshll.u32 @!p0 s14, $0x8;
	s1 =	simm.s32 @!p1 $0x0;
	p1 =	por !p2, p0  }
0x3f: {  	s4 =	sand.u32 @!p0 s4, s13;
	s6 =	sand.u32 @!p0 s6, s11;
	s3 =	simm.s32 @p1 $0x7  }
0x40: {  	p1 =	sgt.s32 @!p0 s11, $0x80;
	s0 =	smul.u32 @!p0 s1, s0;
	s3 =	ssub.s32 @!p0 s3, s4  }
0x41: {  	p1 =	por !p1, p0;
	s4 =	smov.u32 s11;
	s20 =	sadd.s32 @!p0 $0xFFFFFFF9, s3  }
0x42: {  	s4 =	simm.s32 @p1 $0x80;
	s3 =	ssub.s32 @!p0 $0x8, s3;
	p1 =	sgt.s32 @!p0 s20, $0x0  }
0x43: {  	s1 =	ssub.s32 @!p0 s4, s6;
	s6 =	sxor.u32 @!p0 $0xFFFFFFFF, s9;
	s20 =	sshll.u32 @!p0 s15, $0xB  }
0x44: {  	p1 =	por !p1, p0;
	s4 =	sadd.s32 @!p0 $0xFFFFFF80, s1;
	s1 =	ssub.s32 @!p0 $0x100, s1  }
0x45: {  	s3 =	simm.s32 @!p1 $0x0;
	p1 =	sgt.s32 @!p0 s4, $0x7F;
	s4 =	sshll.u32 @!p0 s11, $0x3  }
0x46: {  	s0 =	smul.u32 @!p0 s3, s0;
	p1 =	por !p1, p0;
	s3 =	sshll.u32 @!p0 s6, $0xE  }
0x47: {  	s6 =	sshll.u32 @!p0 s13, $0x7;
	s4 =	sand.u32 @!p0 $0x400, s4;
	s1 =	simm.s32 @!p1 $0x0  }
0x48: {  	s6 =	sand.u32 @!p0 $0x380, s6;
	s0 =	smul.u32 @!p0 s1, s0;
	s1 =	sand.u32 @!p0 $0x78, s11  }
0x49: {  	s3 =	sand.u32 @!p0 $0x4000, s3;
	s1 =	sor.u32 @!p0 s1, s6;
	s6 =	sand.u32 @!p0 $0x7, s11  }
0x4a: {  	s0 =	sand.u32 @!p0 $0x3FFFFFFF, s0;
	s1 =	sor.u32 @!p0 s4, s1;
	s4 =	sadd.s32 @!p0 s22, s20  }
0x4b: {  	s6 =	sshll.u32 @!p0 s6, $0x12;
	s1 =	sshrl.u32 @!p0 s1, $0x3;
	s4 =	sadd.s32 @!p0 s21, s4  }
0x4c: {  	s1 =	sadd.s32 @!p0 s1, s4;
	s4 =	sor.u32 @!p0 $0x80, s6;
	s6 =	simm.s32 @!p0 $0x800  }
0x4d: {  	[tilespmem:s3], [sflag:$0x1] =	stream.strided.gather @!p0 [hbm4b:s1+s4], s0, s6, s4, $0x38;
	[tilespmem:$0x10000] =	vst v63  }
0x4e: {  	p0 =	seq.s32 s9, $0x0  }
0x4f: {  	p1 =	seq.s32 @!p0 s9, $0x19  }
0x50: {  	p0 =	por p0, p1  }
.Ltmp2:
0x51: {  	_ = 	snop;
	(pc) =	sbr.rel @p0 .LBB1_13-.Ltmp2, $1  }
0x52: {  	_ =	sdelay $0x3  }
0x53: {  	p0 =	sgt.s32 s12, $0x3E5  }
0x54: {  	s0 =	smov.u32 s12;
	s1 =	sshra.s32 s12, $0x1F;
	s24 =	ssub.s32 $0x0, s10  }
0x55: {  	s25 =	ssub.s32 $0x0, s8;
	s4 =	sshra.s32 s8, $0x1F;
	p2 =	sgt.s32 s8, $0x7  }
0x56: {  	s6 =	smov.u32 s8;
	s0 =	simm.s32 @!p0 $0x3E5;
	s1 =	sand.u32 s1, s12  }
0x57: {  	s27 =	sshra.s32 s7, $0x1F;
	s21 =	sand.u32 s25, s4;
	s0 =	ssub.s32 s0, s1  }
0x58: {  	s6 =	simm.s32 @!p2 $0x7;
	s1 =	smin.u32 s10, s24;
	s3 =	sadd.s32 $0xFFFFFC1B, s0  }
0x59: {  	s0 =	ssub.s32 $0x3F5, s0;
	p1 =	sgt.s32 s1, $0x7;
	s1 =	ssub.s32 $0x8, s1  }
0x5a: {  	p0 =	sgt.s32 s3, $0xF;
	s1 =	simm.s32 @p1 $0x0;
	s3 =	sadd.s32 s21, s6  }
0x5b: {  	p1 =	sgt.s32 s7, $0x80;
	s0 =	simm.s32 @p0 $0x0;
	s26 =	sadd.s32 $0xFFFFFFF9, s3  }
0x5c: {  	s3 =	ssub.s32 $0x8, s3;
	s20 =	smul.u32 s1, s0;
	s0 =	smov.u32 s7  }
0x5d: {  	p0 =	sgt.s32 s26, $0x0;
	s1 =	sand.u32 s27, s7;
	s0 =	simm.s32 @!p1 $0x80  }
0x5e: {  	s3 =	simm.s32 @p0 $0x0;
	s0 =	ssub.s32 s0, s1  }
0x5f: {  	s5 =	smov.u32 s22;
	s28 =	smul.u32 s3, s20;
	s29 =	sadd.s32 $0xFFFFFF80, s0  }
0x60: {  	s22 =	ssub.s32 $0x100, s0;
	s0 =	sadd.s32 $0x10, s12;
	p0 =	sgt.s32 s29, $0x7F  }
0x61: {  	s3 =	sadd.s32 $0x8, s10;
	s22 =	simm.s32 @p0 $0x0;
	p0 =	slt.s32 s0, $0x3F5  }
0x62: {  	s0 =	simm.s32 @!p0 $0x3F5;
	p0 =	slt.s32 s3, $0x8  }
0x63: {  	s24 =	ssub.s32 s0, s12;
	s3 =	simm.s32 @!p0 $0x8;
	s0 =	sadd.s32 $0x1, s8  }
0x64: {  	s25 =	ssub.s32 s3, s10;
	p1 =	slt.s32 s0, $0x6;
	p0 =	slt.s32 s24, $0x1  }
0x65: {  	s0 =	simm.s32 @!p1 $0x6;
	p1 =	slt.s32 @!p0 s25, $0x1  }
0x66: {  	s26 =	ssub.s32 s0, s8;
	p1 =	por p0, p1  }
0x67: {  	p2 =	slt.s32 @!p1 s26, $0x1  }
0x68: {  	s1 =	smul.u32 s22, s28;
	p1 =	por p1, p2  }
.Ltmp3:
0x69: {  	_ = 	snop;
	(pc) =	sbr.rel @p1 .LBB1_12-.Ltmp3, $4  }
0x6a: {  	s2 =	simm.s32 $0x1;
	s1 =	sand.u32 $0x3FFFFFFF, s1  }
0x6b: {  	_ =	swait.ge [sflag:s2], s1  }
0x6c: {  	s31 =	sshll.u32 s9, $0xE;
	s30 =	ssub.s32 $0x0, s1;
	[sflag:s2] =	ssyncset.done $0x0  }
0x6d: {  	s23 =	sand.u32 $0x4000, s31;
	[sflag:s2] =	ssyncadd.s32 s30  }
0x6e: {  	s0 =	sadd.s32 $0x80, s7  }
0x6f: {  	p1 =	slt.s32 s0, $0x100  }
.Ltmp4:
0x70: {  	s0 =	simm.s32 @!p1 $0x100;
	(pc) =	sbr.rel .LBB1_4-.Ltmp4, $4  }
0x71: {  	s0 =	ssub.s32 s0, s7  }
0x72: {  	s0 =	sadd.s32 $0xF, s0  }
0x73: {  	s29 =	sor.u32 @!p0 $0x8000, s23;
	s27 =	sand.u32 $0xFFFFFFF0, s0;
	s4 =	sand.u32 @!p0 $0xFFFFFF00, s0  }
0x74: {  	s30 =	simm.s32 $0x0;
	p0 =	slt.s32 s0, $0x100;
	p1 =	sge.s32 s4, s27  }
.LBB1_11:
0x75: {  	s30 =	sadd.s32 $0x1, s30  }
0x76: {  	p2 =	sne.s32 s30, s24  }
.Ltmp5:
0x77: {  	_ = 	snop;
	(pc) =	sbr.rel @!p2 .LBB1_12-.Ltmp5, $1  }
0x78: {  	_ =	sdelay $0x3  }
.LBB1_4:
.Ltmp6:
0x79: {  	(pc) =	sbr.rel .LBB1_5-.Ltmp6, $4  }
0x7a: {  	_ = 	snop  }
0x7b: {  	s0 =	sshll.u32 s30, $0xC  }
0x7c: {  	s0 =	sshra.s32 s0, $0x2  }
0x7d: {  	s31 =	sadd.s32 s0, s23;
	s0 =	simm.s32 $0x0  }
.LBB1_10:
0x7e: {  	s0 =	sadd.s32 $0x1, s0  }
0x7f: {  	p2 =	sne.s32 s0, s25  }
.Ltmp7:
0x80: {  	_ = 	snop;
	(pc) =	sbr.rel @!p2 .LBB1_11-.Ltmp7, $1  }
0x81: {  	_ =	sdelay $0x3  }
.LBB1_5:
.Ltmp8:
0x82: {  	(pc) =	sbr.rel .LBB1_6-.Ltmp8, $4  }
0x83: {  	s1 =	sshll.u32 s0, $0x7  }
0x84: {  	s6 =	sshll.u32 s0, $0x9;
	s3 =	sand.u32 $0x380, s1  }
0x85: {  	s28 =	sadd.s32 s1, s31;
	s6 =	sshra.s32 s6, $0x2;
	s1 =	sadd.s32 s3, s29  }
0x86: {  	s6 =	sadd.s32 s6, s31;
	s3 =	simm.s32 $0x0;
	v0 =	vmov s28;
	v1 =	vmov s1  }
.LBB1_9:
0x87: {  	s3 =	sadd.s32 $0x1, s3  }
0x88: {  	p2 =	sne.s32 s3, s26  }
.Ltmp9:
0x89: {  	_ = 	snop;
	(pc) =	sbr.rel @!p2 .LBB1_10-.Ltmp9, $1  }
0x8a: {  	_ =	sdelay $0x3  }
.LBB1_6:
0x8b: {  	_ =	sdelay $0x1  }
0x8c: {  	s28 =	sshll.u32 @!p0 s3, $0x7  }
0x8d: {  	s28 =	sand.u32 @!p0 $0x380, s28  }
0x8e: {  	v2 =	vld.idx.msk @!p0 [tilespmem:v0+s28+$0x0 ss:$0x1], $0xffff  }
0x8f: {  	v3 =	vld.idx.msk @!p0 [tilespmem:v0+s28+$0x10 ss:$0x1], $0xffff  }
0x90: {  	s2 =	sadd.s32 @!p0 s30, s3;
	v4 =	vld.idx.msk @!p0 [tilespmem:v0+s28+$0x20 ss:$0x1], $0xffff  }
0x91: {  	s2 =	sshll.u32 @!p0 s2, $0xC;
	v5 =	vld.idx.msk @!p0 [tilespmem:v0+s28+$0x30 ss:$0x1], $0xffff  }
0x92: {  	v6 =	vld.idx.msk @!p0 [tilespmem:v0+s28+$0x40 ss:$0x1], $0xffff;
	s2 =	sshra.s32 @!p0 s2, $0x2  }
0x93: {  	v7 =	vld.idx.msk @!p0 [tilespmem:v0+s28+$0x50 ss:$0x1], $0xffff;
	[tilespmem:v1+s2+$0x0 ss:$0x1] =	vst.idx.msk @!p0 $0xffff, v2  }
0x94: {  	v2 =	vld.idx.msk @!p0 [tilespmem:v0+s28+$0x60 ss:$0x1], $0xffff;
	[tilespmem:v1+s2+$0x10 ss:$0x1] =	vst.idx.msk @!p0 $0xffff, v3  }
0x95: {  	v3 =	vld.idx.msk @!p0 [tilespmem:v0+s28+$0x70 ss:$0x1], $0xffff;
	[tilespmem:v1+s2+$0x20 ss:$0x1] =	vst.idx.msk @!p0 $0xffff, v4  }
.Ltmp10:
0x96: {  	[tilespmem:v1+s2+$0x30 ss:$0x1] =	vst.idx.msk @!p0 $0xffff, v5;
	(pc) =	sbr.rel @p1 .LBB1_9-.Ltmp10, $4  }
0x97: {  	[tilespmem:v1+s2+$0x40 ss:$0x1] =	vst.idx.msk @!p0 $0xffff, v6  }
0x98: {  	[tilespmem:v1+s2+$0x50 ss:$0x1] =	vst.idx.msk @!p0 $0xffff, v7  }
0x99: {  	[tilespmem:v1+s2+$0x60 ss:$0x1] =	vst.idx.msk @!p0 $0xffff, v2  }
0x9a: {  	[tilespmem:v1+s2+$0x70 ss:$0x1] =	vst.idx.msk @!p0 $0xffff, v3  }
0x9b: {  	s28 =	sshll.u32 s3, $0x7  }
0x9c: {  	s28 =	sand.u32 $0x380, s28  }
0x9d: {  	s2 =	sadd.s32 s30, s3;
	s28 =	sadd.s32 s28, s6  }
0x9e: {  	s2 =	sshll.u32 s2, $0xC;
	v2 =	vmov s28  }
0x9f: {  	s2 =	sshra.s32 s2, $0x2  }
0xa0: {  	s2 =	sadd.s32 s2, s1  }
0xa1: {  	s28 =	smov.u32 s4;
	v3 =	vmov s2  }
.LBB1_8:
0xa2: {  	s2 =	sand.u32 $0x70, s28;
	s28 =	sadd.s32 $0x10, s28  }
0xa3: {  	v4 =	vld.idx.msk [tilespmem:v2+s2+$0x0 ss:$0x1], $0xffff;
	p2 =	slt.s32 s28, s27  }
.Ltmp11:
0xa4: {  	_ = 	snop;
	(pc) =	sbr.rel @p2 .LBB1_8-.Ltmp11, $2  }
0xa5: {  	_ =	sdelay $0x2  }
0xa6: {  	[tilespmem:v3+s2+$0x0 ss:$0x1] =	vst.idx.msk $0xffff, v4  }
.Ltmp12:
0xa7: {  	_ = 	snop;
	(pc) =	sbr.rel .LBB1_9-.Ltmp12, $1  }
0xa8: {  	_ =	sdelay $0x3  }
.LBB1_14:
0xa9: {  	_ =	sfence.sel $0x180000  }
0xaa: {  	s0 =	simm.s32 $0x1;
	[bflag:$0x0] =	sbarrier.arrive $0xFFFF  }
0xab: {  	s30 =	simm.s32 $0x2;
	[sflag:s0] =	ssyncpa.u1 $0x1  }
0xac: {  	[sflag:s30] =	ssyncpa.u1 $0x1  }
0xad: {  	_ =	strace $0x9000004A  }
0xae: {  	s31 =	stileid.u32;
	[bflag:$0x2] =	sbarrier.arrive $0xFFFF  }
0xaf: {  	p0 =	sne.s32 s31, $0x0;
	s0 =	rddreg [dreg:$0x1]  }
0xb0: {  	s0 =	sadd.s32 @!p0 $0x100000, s0  }
0xb1: {  	[sflag:s0] =	ssyncadd.tile.s32 @!p0 $0x1;
	_ =	shalt  }
.Lfunc_end1:
_tile_overlayer_lowered:
.L_overlay_start_2:
0xb2: {  	(tag) =	ssettag $0x2  }
0xb3: {  	s0 =	rddreg [dreg:$0x0];
	s2 =	stileid.u32  }
0xb4: {  	s1 =	rddreg [dreg:$0x1];
	p0 =	sne.s32 s2, $0x0  }
0xb5: {  	s3 =	rddreg [dreg:$0x2];
	[bflag:$0x3] =	sbarrier.arrive $0xFFFF;
	s2 =	simm.s32 @!p0 $0x1C01  }
0xb6: {  	[timem:s3], [sflag:s2] =	dma.local @!p0 [hbm:s0], s1  }
0xb7: {  	s0 =	simm.s32 @!p0 $0x1  }
0xb8: {  	_ =	swait.ge @!p0 [sflag:s0], s1  }
0xb9: {  	s1 =	ssub.s32 @!p0 $0x0, s1;
	[sflag:s0] =	ssyncset.done @!p0 $0x0  }
0xba: {  	[sflag:s0] =	ssyncadd.s32 @!p0 s1  }
0xbb: {  	[bflag:$0x3] =	sbarrier.arrive $0xFFFF  }
0xbc: {  	_ =	shalt  }

</sc_bundles>
